<compile_context>
chip_gen: v7x
topology: tpu7x:2x2x1
jax: 0.10.2.dev20260603
libtpu: 0.0.44.dev20260713+nightly
codegen_flags: <defaults>
</compile_context>

<pallas_src>
import functools

import jax
import jax.numpy as jnp
from jax import lax
from jax.experimental import pallas as pl
from jax.experimental.pallas import tpu as pltpu
from jax.experimental.pallas import tpu_sc as plsc

BATCH = 16384
EMB = 64
NROWS = 1000000
IDX_CHUNK = 128
TBLK = 32768
HBLK = TBLK // 2
NBLK = (NROWS + TBLK - 1) // TBLK
NPACK = NBLK * HBLK


def _transform_block(ut_ref, it_ref, out_ref):
    eye = (lax.broadcasted_iota(jnp.int32, (EMB, EMB), 0)
           == lax.broadcasted_iota(jnp.int32, (EMB, EMB), 1)
           ).astype(jnp.bfloat16)
    xu = ut_ref[...].astype(jnp.bfloat16)
    tu = lax.dot_general(xu, eye, (((0,), (0,)), ((), ())),
                         preferred_element_type=jnp.float32)
    xi = it_ref[...].astype(jnp.bfloat16)
    ti = lax.dot_general(xi, eye, (((0,), (0,)), ((), ())),
                         preferred_element_type=jnp.float32)
    iu = lax.bitcast_convert_type(tu, jnp.int32)
    ii = lax.bitcast_convert_type(ti, jnp.int32)
    packed = (iu & jnp.int32(-65536)) | ((ii >> 16) & jnp.int32(0xFFFF))
    out_ref[:, 0:EMB] = packed[0:HBLK]
    out_ref[:, EMB:2 * EMB] = packed[HBLK:TBLK]


def _to_packed(user_emb, item_emb):
    ut = user_emb.T
    it = item_emb.T
    grid = (pl.cdiv(NROWS, TBLK),)
    return pl.pallas_call(
        _transform_block,
        grid=grid,
        compiler_params=pltpu.CompilerParams(
            vmem_limit_bytes=128 * 1024 * 1024),
        in_specs=[
            pl.BlockSpec((EMB, TBLK), lambda j: (0, j)),
            pl.BlockSpec((EMB, TBLK), lambda j: (0, j)),
        ],
        out_specs=pl.BlockSpec((HBLK, 2 * EMB), lambda j: (j, 0)),
        out_shape=jax.ShapeDtypeStruct((NPACK, 2 * EMB), jnp.int32),
    )(ut, it)


def _sc_gather(user_idx2d, item_idx2d, packed):
    info = plsc.get_sparse_core_info()
    nc, ns = info.num_cores, info.num_subcores
    nw = nc * ns
    rows_per_w = BATCH // nw
    chunks_per_w = rows_per_w // IDX_CHUNK

    mesh = plsc.VectorSubcoreMesh(core_axis_name="c", subcore_axis_name="s")

    @functools.partial(
        pl.kernel,
        mesh=mesh,
        out_type=[
            jax.ShapeDtypeStruct((BATCH // IDX_CHUNK, IDX_CHUNK, 2 * EMB),
                                 jnp.int32),
            jax.ShapeDtypeStruct((BATCH // IDX_CHUNK, IDX_CHUNK, 2 * EMB),
                                 jnp.int32),
        ],
        scratch_types=[
            pltpu.VMEM((2 * chunks_per_w, IDX_CHUNK), jnp.int32),
            pltpu.VMEM((chunks_per_w, IDX_CHUNK, 2 * EMB), jnp.int32),
            pltpu.SemaphoreType.DMA,
        ],
    )
    def gather_k(uidx_hbm, iidx_hbm, tbl_hbm, out_u, out_i,
                 idx_v, rows_v, sem):
        wid = lax.axis_index("s") * nc + lax.axis_index("c")
        crow = wid * chunks_per_w
        pltpu.sync_copy(uidx_hbm.at[pl.ds(crow, chunks_per_w)],
                        idx_v.at[pl.ds(0, chunks_per_w)])
        pltpu.sync_copy(iidx_hbm.at[pl.ds(crow, chunks_per_w)],
                        idx_v.at[pl.ds(chunks_per_w, chunks_per_w)])
        for half, out in enumerate((out_u, out_i)):
            cps = []
            for j in range(chunks_per_w):
                cps.append(pltpu.async_copy(
                    tbl_hbm.at[idx_v.at[half * chunks_per_w + j]],
                    rows_v.at[j], sem))
            for cp in cps:
                cp.wait()
            pltpu.sync_copy(rows_v, out.at[pl.ds(crow, chunks_per_w)])

    return gather_k(user_idx2d, item_idx2d, packed)


def _mlp_block(u_ref, v_ref, uh_ref, vh_ref, w1u_ref, w1i_ref, b1_ref,
               w2_ref, b2_ref, w3_ref, b3_ref, wo_ref, bo_ref, out_ref):
    usel = jnp.where(uh_ref[...] == 1, u_ref[:, EMB:], u_ref[:, :EMB])
    vsel = jnp.where(vh_ref[...] == 1, v_ref[:, EMB:], v_ref[:, :EMB])
    uval = lax.bitcast_convert_type(usel & jnp.int32(-65536),
                                    jnp.float32).astype(jnp.bfloat16)
    vval = lax.bitcast_convert_type(lax.shift_left(vsel, 16),
                                    jnp.float32).astype(jnp.bfloat16)
    x = jnp.dot(uval, w1u_ref[...], preferred_element_type=jnp.float32)
    x += jnp.dot(vval, w1i_ref[...], preferred_element_type=jnp.float32)
    x = jnp.maximum(x + b1_ref[...], 0.0).astype(jnp.bfloat16)
    x = jnp.dot(x, w2_ref[...], preferred_element_type=jnp.float32)
    x = jnp.maximum(x + b2_ref[...], 0.0).astype(jnp.bfloat16)
    x = jnp.dot(x, w3_ref[...], preferred_element_type=jnp.float32)
    x = jnp.maximum(x + b3_ref[...], 0.0)
    logit = jnp.sum(x * wo_ref[...], axis=1) + bo_ref[0, 0]
    out_ref[...] = jax.nn.sigmoid(logit)


def _pack_index(r):
    return (r // TBLK) * HBLK + (r % HBLK), (r // HBLK) % 2


def kernel(user_indices, item_indices, user_emb, item_emb,
           W1, b1, W2, b2, W3, b3, Wo, bo):
    packed = _to_packed(user_emb, item_emb)
    up, uh = _pack_index(user_indices)
    ip, ih = _pack_index(item_indices)
    uidx2d = up.reshape(BATCH // IDX_CHUNK, IDX_CHUNK)
    iidx2d = ip.reshape(BATCH // IDX_CHUNK, IDX_CHUNK)
    u_rows3, i_rows3 = _sc_gather(uidx2d, iidx2d, packed)
    u_rows = u_rows3.reshape(BATCH, 2 * EMB)
    i_rows = i_rows3.reshape(BATCH, 2 * EMB)

    w1u = W1[:, :EMB].T.astype(jnp.bfloat16)
    w1i = W1[:, EMB:].T.astype(jnp.bfloat16)
    w2t = W2.T.astype(jnp.bfloat16)
    w3t = W3.T.astype(jnp.bfloat16)
    b1r = b1.reshape(1, -1)
    b2r = b2.reshape(1, -1)
    b3r = b3.reshape(1, -1)
    wor = Wo.reshape(1, -1)
    bor = bo.reshape(1, 1)

    bb = 4096
    grid = (BATCH // bb,)
    full = lambda i: (0, 0)
    out = pl.pallas_call(
        _mlp_block,
        grid=grid,
        in_specs=[
            pl.BlockSpec((bb, 2 * EMB), lambda i: (i, 0)),
            pl.BlockSpec((bb, 2 * EMB), lambda i: (i, 0)),
            pl.BlockSpec((bb, 1), lambda i: (i, 0)),
            pl.BlockSpec((bb, 1), lambda i: (i, 0)),
            pl.BlockSpec(w1u.shape, full),
            pl.BlockSpec(w1i.shape, full),
            pl.BlockSpec(b1r.shape, full),
            pl.BlockSpec(w2t.shape, full),
            pl.BlockSpec(b2r.shape, full),
            pl.BlockSpec(w3t.shape, full),
            pl.BlockSpec(b3r.shape, full),
            pl.BlockSpec(wor.shape, full),
            pl.BlockSpec(bor.shape, full),
        ],
        out_specs=pl.BlockSpec((bb,), lambda i: (i,)),
        out_shape=jax.ShapeDtypeStruct((BATCH,), jnp.float32),
    )(u_rows, i_rows, uh.reshape(BATCH, 1), ih.reshape(BATCH, 1),
      w1u, w1i, b1r, w2t, b2r, w3t, b3r, wor, bor)
    return out

# --- scband reference (transcript-rebuilt; emitter-appended) ---
"""Pipeline reference for scband-neural-collaborative-filtering-4415226380924 (READ-ONLY COPY).

The authoritative reference and input builder live on the scoring server;
editing this copy changes nothing except your own understanding.
"""

import jax, jax.numpy as jnp
import numpy as np

NUM_USERS = 1000000
NUM_ITEMS = 1000000
EMB_DIM = 64
HIDDEN = [128, 64, 32]
BATCH = 16384


def _xavier(key, shape):
    fan_in, fan_out = shape[1], shape[0]
    limit = float(np.sqrt(6.0 / (fan_in + fan_out)))
    return jax.random.uniform(key, shape, dtype=jnp.float32, minval=-limit, maxval=limit)


def setup_inputs(seed: int = 0) -> dict:
    key = jax.random.key(seed)
    ks = jax.random.split(key, 10)
    user_indices = jax.random.randint(ks[0], (BATCH,), 0, NUM_USERS, dtype=jnp.int32)
    item_indices = jax.random.randint(ks[1], (BATCH,), 0, NUM_ITEMS, dtype=jnp.int32)
    user_emb = _xavier(ks[2], (NUM_USERS, EMB_DIM))
    item_emb = _xavier(ks[3], (NUM_ITEMS, EMB_DIM))
    W1 = _xavier(ks[4], (HIDDEN[0], EMB_DIM * 2))
    b1 = jnp.zeros((HIDDEN[0],), dtype=jnp.float32)
    W2 = _xavier(ks[5], (HIDDEN[1], HIDDEN[0]))
    b2 = jnp.zeros((HIDDEN[1],), dtype=jnp.float32)
    W3 = _xavier(ks[6], (HIDDEN[2], HIDDEN[1]))
    b3 = jnp.zeros((HIDDEN[2],), dtype=jnp.float32)
    Wo = _xavier(ks[7], (1, HIDDEN[2]))
    bo = jnp.zeros((1,), dtype=jnp.float32)
    return {
        'user_indices': user_indices,
        'item_indices': item_indices,
        'user_emb': user_emb,
        'item_emb': item_emb,
        'W1': W1, 'b1': b1,
        'W2': W2, 'b2': b2,
        'W3': W3, 'b3': b3,
        'Wo': Wo, 'bo': bo,
    }


def reference(user_indices, item_indices, user_emb, item_emb, W1, b1, W2, b2, W3, b3, Wo, bo):
    # Embedding lookups (SparseCore gather)
    user_vector = jnp.take(user_emb, user_indices, axis=0)
    item_vector = jnp.take(item_emb, item_indices, axis=0)
    x = jnp.concatenate([user_vector, item_vector], axis=-1)
    # MLP (dropout is identity at inference)
    x = jax.nn.relu(x @ W1.T + b1)
    x = jax.nn.relu(x @ W2.T + b2)
    x = jax.nn.relu(x @ W3.T + b3)
    logits = x @ Wo.T + bo
    prob = jax.nn.sigmoid(logits)
    return jnp.squeeze(prob, axis=-1)

if __name__ == "__main__":
    import jax
    _d = setup_inputs()
    print(jax.jit(kernel)(*tuple(_d.values())))

</pallas_src>

<mosaic_0001>
#map = affine_map<(d0, d1) -> (0, 0)>
#map1 = affine_map<(d0, d1) -> (0, 0, 0)>
module attributes {stable_mosaic.version = 14 : i64} {
  func.func @gather_k(%arg0: i32, %arg1: i32, %arg2: memref<128x128xi32, #tpu.memory_space<hbm>>, %arg3: memref<128x128xi32, #tpu.memory_space<hbm>>, %arg4: memref<507904x128xi32, #tpu.memory_space<hbm>>, %arg5: memref<128x128x128xi32, #tpu.memory_space<hbm>>, %arg6: memref<128x128x128xi32, #tpu.memory_space<hbm>>, %arg7: memref<8x128xi32, #tpu.memory_space<vmem>>, %arg8: memref<4x128x128xi32, #tpu.memory_space<vmem>>, %arg9: memref<!tpu.dma_semaphore, #tpu.memory_space<semaphore_mem>>) attributes {dimension_semantics = [#tpu.dimension_semantics<core_parallel>, #tpu.dimension_semantics<subcore_parallel>], iteration_bounds = array<i64: 2, 16>, scalar_prefetch = 0 : i64, scratch_operands = 3 : i64, tpu.core_type = #tpu.core_type<sc_vector_subcore>, window_params = [{transform_indices = #map}, {transform_indices = #map}, {transform_indices = #map}, {transform_indices = #map1}, {transform_indices = #map1}]} {
    %mul3A = arith.constant 2 : i32
    %mul3A_0 = arith.muli %arg1, %mul3A : i32
    %add3A = arith.addi %mul3A_0, %arg0 : i32
    %mul3A_1 = arith.constant 4 : i32
    %mul3A_2 = arith.muli %add3A, %mul3A_1 : i32
    "tpu.region"() ({
      %run_scoped3A = tpu.sem_alloc : memref<!tpu.dma_semaphore, #tpu.memory_space<semaphore_mem>>
      %dma_start3A_193 = arith.constant 0 : i32
      %dma_start3A_194 = arith.constant 0 : i32
      %dma_start3A_195 = tpu.memref_slice %arg7[%dma_start3A_193, %dma_start3A_194] : memref<8x128xi32, #tpu.memory_space<vmem>> -> memref<4x128xi32, #tpu.memory_space<vmem>>
      %dma_start3A_196 = arith.constant 0 : i32
      %dma_start3A_197 = tpu.memref_slice %arg2[%mul3A_2, %dma_start3A_196] : memref<128x128xi32, #tpu.memory_space<hbm>> -> memref<4x128xi32, #tpu.memory_space<hbm>>
      %dma_start3A_198 = arith.constant 0 : i32
      %dma_start3A_199 = arith.constant 0 : i32
      %dma_start3A_200 = tpu.memref_slice %arg7[%dma_start3A_198, %dma_start3A_199] : memref<8x128xi32, #tpu.memory_space<vmem>> -> memref<4x128xi32, #tpu.memory_space<vmem>>
      %dma_start3A_201 = arith.constant 0 : i32
      %dma_start3A_202 = tpu.memref_slice %arg2[%mul3A_2, %dma_start3A_201] : memref<128x128xi32, #tpu.memory_space<hbm>> -> memref<4x128xi32, #tpu.memory_space<hbm>>
      tpu.enqueue_dma source(%dma_start3A_202 : memref<4x128xi32, #tpu.memory_space<hbm>>) target(%dma_start3A_200 : memref<4x128xi32, #tpu.memory_space<vmem>>) target_semaphore(%run_scoped3A : memref<!tpu.dma_semaphore, #tpu.memory_space<semaphore_mem>>)
      %dma_wait3A_203 = arith.constant 0 : i32
      %dma_wait3A_204 = arith.constant 0 : i32
      %dma_wait3A_205 = tpu.memref_slice %arg7[%dma_wait3A_203, %dma_wait3A_204] : memref<8x128xi32, #tpu.memory_space<vmem>> -> memref<4x128xi32, #tpu.memory_space<vmem>>
      %dma_wait3A_206 = arith.constant 0 : i32
      %dma_wait3A_207 = tpu.memref_slice %arg2[%mul3A_2, %dma_wait3A_206] : memref<128x128xi32, #tpu.memory_space<hbm>> -> memref<4x128xi32, #tpu.memory_space<hbm>>
      %dma_wait3A_208 = arith.constant 0 : i32
      %dma_wait3A_209 = arith.constant 0 : i32
      %dma_wait3A_210 = tpu.memref_slice %arg7[%dma_wait3A_208, %dma_wait3A_209] : memref<8x128xi32, #tpu.memory_space<vmem>> -> memref<4x128xi32, #tpu.memory_space<vmem>>
      %dma_wait3A_211 = arith.constant 0 : i32
      %dma_wait3A_212 = tpu.memref_slice %arg2[%mul3A_2, %dma_wait3A_211] : memref<128x128xi32, #tpu.memory_space<hbm>> -> memref<4x128xi32, #tpu.memory_space<hbm>>
      tpu.wait_dma2 semaphore(%run_scoped3A : memref<!tpu.dma_semaphore, #tpu.memory_space<semaphore_mem>>) src(%dma_wait3A_212 : memref<4x128xi32, #tpu.memory_space<hbm>>) dst(%dma_wait3A_210 : memref<4x128xi32, #tpu.memory_space<vmem>>)
      tpu.yield
    }) : () -> ()
    "tpu.region"() ({
      %run_scoped3A = tpu.sem_alloc : memref<!tpu.dma_semaphore, #tpu.memory_space<semaphore_mem>>
      %dma_start3A_193 = arith.constant 4 : i32
      %dma_start3A_194 = arith.constant 0 : i32
      %dma_start3A_195 = tpu.memref_slice %arg7[%dma_start3A_193, %dma_start3A_194] : memref<8x128xi32, #tpu.memory_space<vmem>> -> memref<4x128xi32, #tpu.memory_space<vmem>>
      %dma_start3A_196 = arith.constant 0 : i32
      %dma_start3A_197 = tpu.memref_slice %arg3[%mul3A_2, %dma_start3A_196] : memref<128x128xi32, #tpu.memory_space<hbm>> -> memref<4x128xi32, #tpu.memory_space<hbm>>
      %dma_start3A_198 = arith.constant 4 : i32
      %dma_start3A_199 = arith.constant 0 : i32
      %dma_start3A_200 = tpu.memref_slice %arg7[%dma_start3A_198, %dma_start3A_199] : memref<8x128xi32, #tpu.memory_space<vmem>> -> memref<4x128xi32, #tpu.memory_space<vmem>>
      %dma_start3A_201 = arith.constant 0 : i32
      %dma_start3A_202 = tpu.memref_slice %arg3[%mul3A_2, %dma_start3A_201] : memref<128x128xi32, #tpu.memory_space<hbm>> -> memref<4x128xi32, #tpu.memory_space<hbm>>
      tpu.enqueue_dma source(%dma_start3A_202 : memref<4x128xi32, #tpu.memory_space<hbm>>) target(%dma_start3A_200 : memref<4x128xi32, #tpu.memory_space<vmem>>) target_semaphore(%run_scoped3A : memref<!tpu.dma_semaphore, #tpu.memory_space<semaphore_mem>>)
      %dma_wait3A_203 = arith.constant 4 : i32
      %dma_wait3A_204 = arith.constant 0 : i32
      %dma_wait3A_205 = tpu.memref_slice %arg7[%dma_wait3A_203, %dma_wait3A_204] : memref<8x128xi32, #tpu.memory_space<vmem>> -> memref<4x128xi32, #tpu.memory_space<vmem>>
      %dma_wait3A_206 = arith.constant 0 : i32
      %dma_wait3A_207 = tpu.memref_slice %arg3[%mul3A_2, %dma_wait3A_206] : memref<128x128xi32, #tpu.memory_space<hbm>> -> memref<4x128xi32, #tpu.memory_space<hbm>>
      %dma_wait3A_208 = arith.constant 4 : i32
      %dma_wait3A_209 = arith.constant 0 : i32
      %dma_wait3A_210 = tpu.memref_slice %arg7[%dma_wait3A_208, %dma_wait3A_209] : memref<8x128xi32, #tpu.memory_space<vmem>> -> memref<4x128xi32, #tpu.memory_space<vmem>>
      %dma_wait3A_211 = arith.constant 0 : i32
      %dma_wait3A_212 = tpu.memref_slice %arg3[%mul3A_2, %dma_wait3A_211] : memref<128x128xi32, #tpu.memory_space<hbm>> -> memref<4x128xi32, #tpu.memory_space<hbm>>
      tpu.wait_dma2 semaphore(%run_scoped3A : memref<!tpu.dma_semaphore, #tpu.memory_space<semaphore_mem>>) src(%dma_wait3A_212 : memref<4x128xi32, #tpu.memory_space<hbm>>) dst(%dma_wait3A_210 : memref<4x128xi32, #tpu.memory_space<vmem>>)
      tpu.yield
    }) : () -> ()
    %dma_start3A = arith.constant 0 : i32
    %dma_start3A_3 = arith.constant 0 : i32
    %dma_start3A_4 = arith.constant 0 : i32
    %dma_start3A_5 = arith.constant 0 : i32
    %dma_start3A_6 = tpu.memref_slice %arg8[%dma_start3A_3, %dma_start3A_4, %dma_start3A_5] : memref<4x128x128xi32, #tpu.memory_space<vmem>> -> memref<1x128x128xi32, #tpu.memory_space<vmem>>
    %dma_start3A_7 = tpu.memref_squeeze %dma_start3A_6 : memref<1x128x128xi32, #tpu.memory_space<vmem>> -> memref<128x128xi32, #tpu.memory_space<vmem>>
    %dma_start3A_8 = arith.constant 0 : i32
    %dma_start3A_9 = tpu.memref_slice %arg7[%dma_start3A, %dma_start3A_8] : memref<8x128xi32, #tpu.memory_space<vmem>> -> memref<1x128xi32, #tpu.memory_space<vmem>>
    %dma_start3A_10 = tpu.memref_squeeze %dma_start3A_9 : memref<1x128xi32, #tpu.memory_space<vmem>> -> memref<128xi32, #tpu.memory_space<vmem>>
    %dma_start3A_11 = arith.constant 0 : i32
    %dma_start3A_12 = arith.constant 0 : i32
    %dma_start3A_13 = tpu.memref_slice %arg4[%dma_start3A_11, %dma_start3A_12] : memref<507904x128xi32, #tpu.memory_space<hbm>> -> memref<507904x128xi32, #tpu.memory_space<hbm>>
    tpu.enqueue_indirect_dma source(%dma_start3A_13 : memref<507904x128xi32, #tpu.memory_space<hbm>>) target(%dma_start3A_7 : memref<128x128xi32, #tpu.memory_space<vmem>>) offsets(%dma_start3A_10 : memref<128xi32, #tpu.memory_space<vmem>>) semaphore(%arg9 : memref<!tpu.dma_semaphore, #tpu.memory_space<semaphore_mem>>)
    %dma_start3A_14 = arith.constant 1 : i32
    %dma_start3A_15 = arith.constant 1 : i32
    %dma_start3A_16 = arith.constant 0 : i32
    %dma_start3A_17 = arith.constant 0 : i32
    %dma_start3A_18 = tpu.memref_slice %arg8[%dma_start3A_15, %dma_start3A_16, %dma_start3A_17] : memref<4x128x128xi32, #tpu.memory_space<vmem>> -> memref<1x128x128xi32, #tpu.memory_space<vmem>>
    %dma_start3A_19 = tpu.memref_squeeze %dma_start3A_18 : memref<1x128x128xi32, #tpu.memory_space<vmem>> -> memref<128x128xi32, #tpu.memory_space<vmem>>
    %dma_start3A_20 = arith.constant 0 : i32
    %dma_start3A_21 = tpu.memref_slice %arg7[%dma_start3A_14, %dma_start3A_20] : memref<8x128xi32, #tpu.memory_space<vmem>> -> memref<1x128xi32, #tpu.memory_space<vmem>>
    %dma_start3A_22 = tpu.memref_squeeze %dma_start3A_21 : memref<1x128xi32, #tpu.memory_space<vmem>> -> memref<128xi32, #tpu.memory_space<vmem>>
    %dma_start3A_23 = arith.constant 0 : i32
    %dma_start3A_24 = arith.constant 0 : i32
    %dma_start3A_25 = tpu.memref_slice %arg4[%dma_start3A_23, %dma_start3A_24] : memref<507904x128xi32, #tpu.memory_space<hbm>> -> memref<507904x128xi32, #tpu.memory_space<hbm>>
    tpu.enqueue_indirect_dma source(%dma_start3A_25 : memref<507904x128xi32, #tpu.memory_space<hbm>>) target(%dma_start3A_19 : memref<128x128xi32, #tpu.memory_space<vmem>>) offsets(%dma_start3A_22 : memref<128xi32, #tpu.memory_space<vmem>>) semaphore(%arg9 : memref<!tpu.dma_semaphore, #tpu.memory_space<semaphore_mem>>)
    %dma_start3A_26 = arith.constant 2 : i32
    %dma_start3A_27 = arith.constant 2 : i32
    %dma_start3A_28 = arith.constant 0 : i32
    %dma_start3A_29 = arith.constant 0 : i32
    %dma_start3A_30 = tpu.memref_slice %arg8[%dma_start3A_27, %dma_start3A_28, %dma_start3A_29] : memref<4x128x128xi32, #tpu.memory_space<vmem>> -> memref<1x128x128xi32, #tpu.memory_space<vmem>>
    %dma_start3A_31 = tpu.memref_squeeze %dma_start3A_30 : memref<1x128x128xi32, #tpu.memory_space<vmem>> -> memref<128x128xi32, #tpu.memory_space<vmem>>
    %dma_start3A_32 = arith.constant 0 : i32
    %dma_start3A_33 = tpu.memref_slice %arg7[%dma_start3A_26, %dma_start3A_32] : memref<8x128xi32, #tpu.memory_space<vmem>> -> memref<1x128xi32, #tpu.memory_space<vmem>>
    %dma_start3A_34 = tpu.memref_squeeze %dma_start3A_33 : memref<1x128xi32, #tpu.memory_space<vmem>> -> memref<128xi32, #tpu.memory_space<vmem>>
    %dma_start3A_35 = arith.constant 0 : i32
    %dma_start3A_36 = arith.constant 0 : i32
    %dma_start3A_37 = tpu.memref_slice %arg4[%dma_start3A_35, %dma_start3A_36] : memref<507904x128xi32, #tpu.memory_space<hbm>> -> memref<507904x128xi32, #tpu.memory_space<hbm>>
    tpu.enqueue_indirect_dma source(%dma_start3A_37 : memref<507904x128xi32, #tpu.memory_space<hbm>>) target(%dma_start3A_31 : memref<128x128xi32, #tpu.memory_space<vmem>>) offsets(%dma_start3A_34 : memref<128xi32, #tpu.memory_space<vmem>>) semaphore(%arg9 : memref<!tpu.dma_semaphore, #tpu.memory_space<semaphore_mem>>)
    %dma_start3A_38 = arith.constant 3 : i32
    %dma_start3A_39 = arith.constant 3 : i32
    %dma_start3A_40 = arith.constant 0 : i32
    %dma_start3A_41 = arith.constant 0 : i32
    %dma_start3A_42 = tpu.memref_slice %arg8[%dma_start3A_39, %dma_start3A_40, %dma_start3A_41] : memref<4x128x128xi32, #tpu.memory_space<vmem>> -> memref<1x128x128xi32, #tpu.memory_space<vmem>>
    %dma_start3A_43 = tpu.memref_squeeze %dma_start3A_42 : memref<1x128x128xi32, #tpu.memory_space<vmem>> -> memref<128x128xi32, #tpu.memory_space<vmem>>
    %dma_start3A_44 = arith.constant 0 : i32
    %dma_start3A_45 = tpu.memref_slice %arg7[%dma_start3A_38, %dma_start3A_44] : memref<8x128xi32, #tpu.memory_space<vmem>> -> memref<1x128xi32, #tpu.memory_space<vmem>>
    %dma_start3A_46 = tpu.memref_squeeze %dma_start3A_45 : memref<1x128xi32, #tpu.memory_space<vmem>> -> memref<128xi32, #tpu.memory_space<vmem>>
    %dma_start3A_47 = arith.constant 0 : i32
    %dma_start3A_48 = arith.constant 0 : i32
    %dma_start3A_49 = tpu.memref_slice %arg4[%dma_start3A_47, %dma_start3A_48] : memref<507904x128xi32, #tpu.memory_space<hbm>> -> memref<507904x128xi32, #tpu.memory_space<hbm>>
    tpu.enqueue_indirect_dma source(%dma_start3A_49 : memref<507904x128xi32, #tpu.memory_space<hbm>>) target(%dma_start3A_43 : memref<128x128xi32, #tpu.memory_space<vmem>>) offsets(%dma_start3A_46 : memref<128xi32, #tpu.memory_space<vmem>>) semaphore(%arg9 : memref<!tpu.dma_semaphore, #tpu.memory_space<semaphore_mem>>)
    %dma_wait3A = arith.constant 0 : i32
    %dma_wait3A_50 = arith.constant 0 : i32
    %dma_wait3A_51 = arith.constant 0 : i32
    %dma_wait3A_52 = arith.constant 0 : i32
    %dma_wait3A_53 = tpu.memref_slice %arg8[%dma_wait3A_50, %dma_wait3A_51, %dma_wait3A_52] : memref<4x128x128xi32, #tpu.memory_space<vmem>> -> memref<1x128x128xi32, #tpu.memory_space<vmem>>
    %dma_wait3A_54 = tpu.memref_squeeze %dma_wait3A_53 : memref<1x128x128xi32, #tpu.memory_space<vmem>> -> memref<128x128xi32, #tpu.memory_space<vmem>>
    %dma_wait3A_55 = arith.constant 0 : i32
    %dma_wait3A_56 = tpu.memref_slice %arg7[%dma_wait3A, %dma_wait3A_55] : memref<8x128xi32, #tpu.memory_space<vmem>> -> memref<1x128xi32, #tpu.memory_space<vmem>>
    %dma_wait3A_57 = tpu.memref_squeeze %dma_wait3A_56 : memref<1x128xi32, #tpu.memory_space<vmem>> -> memref<128xi32, #tpu.memory_space<vmem>>
    %dma_wait3A_58 = arith.constant 0 : i32
    %dma_wait3A_59 = arith.constant 0 : i32
    %dma_wait3A_60 = tpu.memref_slice %arg4[%dma_wait3A_58, %dma_wait3A_59] : memref<507904x128xi32, #tpu.memory_space<hbm>> -> memref<507904x128xi32, #tpu.memory_space<hbm>>
    tpu.wait_indirect_dma semaphore(%arg9 : memref<!tpu.dma_semaphore, #tpu.memory_space<semaphore_mem>>) src(%dma_wait3A_60 : memref<507904x128xi32, #tpu.memory_space<hbm>>) dst(%dma_wait3A_54 : memref<128x128xi32, #tpu.memory_space<vmem>>)
    %dma_wait3A_61 = arith.constant 1 : i32
    %dma_wait3A_62 = arith.constant 1 : i32
    %dma_wait3A_63 = arith.constant 0 : i32
    %dma_wait3A_64 = arith.constant 0 : i32
    %dma_wait3A_65 = tpu.memref_slice %arg8[%dma_wait3A_62, %dma_wait3A_63, %dma_wait3A_64] : memref<4x128x128xi32, #tpu.memory_space<vmem>> -> memref<1x128x128xi32, #tpu.memory_space<vmem>>
    %dma_wait3A_66 = tpu.memref_squeeze %dma_wait3A_65 : memref<1x128x128xi32, #tpu.memory_space<vmem>> -> memref<128x128xi32, #tpu.memory_space<vmem>>
    %dma_wait3A_67 = arith.constant 0 : i32
    %dma_wait3A_68 = tpu.memref_slice %arg7[%dma_wait3A_61, %dma_wait3A_67] : memref<8x128xi32, #tpu.memory_space<vmem>> -> memref<1x128xi32, #tpu.memory_space<vmem>>
    %dma_wait3A_69 = tpu.memref_squeeze %dma_wait3A_68 : memref<1x128xi32, #tpu.memory_space<vmem>> -> memref<128xi32, #tpu.memory_space<vmem>>
    %dma_wait3A_70 = arith.constant 0 : i32
    %dma_wait3A_71 = arith.constant 0 : i32
    %dma_wait3A_72 = tpu.memref_slice %arg4[%dma_wait3A_70, %dma_wait3A_71] : memref<507904x128xi32, #tpu.memory_space<hbm>> -> memref<507904x128xi32, #tpu.memory_space<hbm>>
    tpu.wait_indirect_dma semaphore(%arg9 : memref<!tpu.dma_semaphore, #tpu.memory_space<semaphore_mem>>) src(%dma_wait3A_72 : memref<507904x128xi32, #tpu.memory_space<hbm>>) dst(%dma_wait3A_66 : memref<128x128xi32, #tpu.memory_space<vmem>>)
    %dma_wait3A_73 = arith.constant 2 : i32
    %dma_wait3A_74 = arith.constant 2 : i32
    %dma_wait3A_75 = arith.constant 0 : i32
    %dma_wait3A_76 = arith.constant 0 : i32
    %dma_wait3A_77 = tpu.memref_slice %arg8[%dma_wait3A_74, %dma_wait3A_75, %dma_wait3A_76] : memref<4x128x128xi32, #tpu.memory_space<vmem>> -> memref<1x128x128xi32, #tpu.memory_space<vmem>>
    %dma_wait3A_78 = tpu.memref_squeeze %dma_wait3A_77 : memref<1x128x128xi32, #tpu.memory_space<vmem>> -> memref<128x128xi32, #tpu.memory_space<vmem>>
    %dma_wait3A_79 = arith.constant 0 : i32
    %dma_wait3A_80 = tpu.memref_slice %arg7[%dma_wait3A_73, %dma_wait3A_79] : memref<8x128xi32, #tpu.memory_space<vmem>> -> memref<1x128xi32, #tpu.memory_space<vmem>>
    %dma_wait3A_81 = tpu.memref_squeeze %dma_wait3A_80 : memref<1x128xi32, #tpu.memory_space<vmem>> -> memref<128xi32, #tpu.memory_space<vmem>>
    %dma_wait3A_82 = arith.constant 0 : i32
    %dma_wait3A_83 = arith.constant 0 : i32
    %dma_wait3A_84 = tpu.memref_slice %arg4[%dma_wait3A_82, %dma_wait3A_83] : memref<507904x128xi32, #tpu.memory_space<hbm>> -> memref<507904x128xi32, #tpu.memory_space<hbm>>
    tpu.wait_indirect_dma semaphore(%arg9 : memref<!tpu.dma_semaphore, #tpu.memory_space<semaphore_mem>>) src(%dma_wait3A_84 : memref<507904x128xi32, #tpu.memory_space<hbm>>) dst(%dma_wait3A_78 : memref<128x128xi32, #tpu.memory_space<vmem>>)
    %dma_wait3A_85 = arith.constant 3 : i32
    %dma_wait3A_86 = arith.constant 3 : i32
    %dma_wait3A_87 = arith.constant 0 : i32
    %dma_wait3A_88 = arith.constant 0 : i32
    %dma_wait3A_89 = tpu.memref_slice %arg8[%dma_wait3A_86, %dma_wait3A_87, %dma_wait3A_88] : memref<4x128x128xi32, #tpu.memory_space<vmem>> -> memref<1x128x128xi32, #tpu.memory_space<vmem>>
    %dma_wait3A_90 = tpu.memref_squeeze %dma_wait3A_89 : memref<1x128x128xi32, #tpu.memory_space<vmem>> -> memref<128x128xi32, #tpu.memory_space<vmem>>
    %dma_wait3A_91 = arith.constant 0 : i32
    %dma_wait3A_92 = tpu.memref_slice %arg7[%dma_wait3A_85, %dma_wait3A_91] : memref<8x128xi32, #tpu.memory_space<vmem>> -> memref<1x128xi32, #tpu.memory_space<vmem>>
    %dma_wait3A_93 = tpu.memref_squeeze %dma_wait3A_92 : memref<1x128xi32, #tpu.memory_space<vmem>> -> memref<128xi32, #tpu.memory_space<vmem>>
    %dma_wait3A_94 = arith.constant 0 : i32
    %dma_wait3A_95 = arith.constant 0 : i32
    %dma_wait3A_96 = tpu.memref_slice %arg4[%dma_wait3A_94, %dma_wait3A_95] : memref<507904x128xi32, #tpu.memory_space<hbm>> -> memref<507904x128xi32, #tpu.memory_space<hbm>>
    tpu.wait_indirect_dma semaphore(%arg9 : memref<!tpu.dma_semaphore, #tpu.memory_space<semaphore_mem>>) src(%dma_wait3A_96 : memref<507904x128xi32, #tpu.memory_space<hbm>>) dst(%dma_wait3A_90 : memref<128x128xi32, #tpu.memory_space<vmem>>)
    "tpu.region"() ({
      %run_scoped3A = tpu.sem_alloc : memref<!tpu.dma_semaphore, #tpu.memory_space<semaphore_mem>>
      %dma_start3A_193 = arith.constant 0 : i32
      %dma_start3A_194 = arith.constant 0 : i32
      %dma_start3A_195 = tpu.memref_slice %arg5[%mul3A_2, %dma_start3A_193, %dma_start3A_194] : memref<128x128x128xi32, #tpu.memory_space<hbm>> -> memref<4x128x128xi32, #tpu.memory_space<hbm>>
      %dma_start3A_196 = arith.constant 0 : i32
      %dma_start3A_197 = arith.constant 0 : i32
      %dma_start3A_198 = tpu.memref_slice %arg5[%mul3A_2, %dma_start3A_196, %dma_start3A_197] : memref<128x128x128xi32, #tpu.memory_space<hbm>> -> memref<4x128x128xi32, #tpu.memory_space<hbm>>
      tpu.enqueue_dma source(%arg8 : memref<4x128x128xi32, #tpu.memory_space<vmem>>) target(%dma_start3A_198 : memref<4x128x128xi32, #tpu.memory_space<hbm>>) target_semaphore(%run_scoped3A : memref<!tpu.dma_semaphore, #tpu.memory_space<semaphore_mem>>)
      %dma_wait3A_199 = arith.constant 0 : i32
      %dma_wait3A_200 = arith.constant 0 : i32
      %dma_wait3A_201 = tpu.memref_slice %arg5[%mul3A_2, %dma_wait3A_199, %dma_wait3A_200] : memref<128x128x128xi32, #tpu.memory_space<hbm>> -> memref<4x128x128xi32, #tpu.memory_space<hbm>>
      %dma_wait3A_202 = arith.constant 0 : i32
      %dma_wait3A_203 = arith.constant 0 : i32
      %dma_wait3A_204 = tpu.memref_slice %arg5[%mul3A_2, %dma_wait3A_202, %dma_wait3A_203] : memref<128x128x128xi32, #tpu.memory_space<hbm>> -> memref<4x128x128xi32, #tpu.memory_space<hbm>>
      tpu.wait_dma2 semaphore(%run_scoped3A : memref<!tpu.dma_semaphore, #tpu.memory_space<semaphore_mem>>) src(%arg8 : memref<4x128x128xi32, #tpu.memory_space<vmem>>) dst(%dma_wait3A_204 : memref<4x128x128xi32, #tpu.memory_space<hbm>>)
      tpu.yield
    }) : () -> ()
    %dma_start3A_97 = arith.constant 4 : i32
    %dma_start3A_98 = arith.constant 0 : i32
    %dma_start3A_99 = arith.constant 0 : i32
    %dma_start3A_100 = arith.constant 0 : i32
    %dma_start3A_101 = tpu.memref_slice %arg8[%dma_start3A_98, %dma_start3A_99, %dma_start3A_100] : memref<4x128x128xi32, #tpu.memory_space<vmem>> -> memref<1x128x128xi32, #tpu.memory_space<vmem>>
    %dma_start3A_102 = tpu.memref_squeeze %dma_start3A_101 : memref<1x128x128xi32, #tpu.memory_space<vmem>> -> memref<128x128xi32, #tpu.memory_space<vmem>>
    %dma_start3A_103 = arith.constant 0 : i32
    %dma_start3A_104 = tpu.memref_slice %arg7[%dma_start3A_97, %dma_start3A_103] : memref<8x128xi32, #tpu.memory_space<vmem>> -> memref<1x128xi32, #tpu.memory_space<vmem>>
    %dma_start3A_105 = tpu.memref_squeeze %dma_start3A_104 : memref<1x128xi32, #tpu.memory_space<vmem>> -> memref<128xi32, #tpu.memory_space<vmem>>
    %dma_start3A_106 = arith.constant 0 : i32
    %dma_start3A_107 = arith.constant 0 : i32
    %dma_start3A_108 = tpu.memref_slice %arg4[%dma_start3A_106, %dma_start3A_107] : memref<507904x128xi32, #tpu.memory_space<hbm>> -> memref<507904x128xi32, #tpu.memory_space<hbm>>
    tpu.enqueue_indirect_dma source(%dma_start3A_108 : memref<507904x128xi32, #tpu.memory_space<hbm>>) target(%dma_start3A_102 : memref<128x128xi32, #tpu.memory_space<vmem>>) offsets(%dma_start3A_105 : memref<128xi32, #tpu.memory_space<vmem>>) semaphore(%arg9 : memref<!tpu.dma_semaphore, #tpu.memory_space<semaphore_mem>>)
    %dma_start3A_109 = arith.constant 5 : i32
    %dma_start3A_110 = arith.constant 1 : i32
    %dma_start3A_111 = arith.constant 0 : i32
    %dma_start3A_112 = arith.constant 0 : i32
    %dma_start3A_113 = tpu.memref_slice %arg8[%dma_start3A_110, %dma_start3A_111, %dma_start3A_112] : memref<4x128x128xi32, #tpu.memory_space<vmem>> -> memref<1x128x128xi32, #tpu.memory_space<vmem>>
    %dma_start3A_114 = tpu.memref_squeeze %dma_start3A_113 : memref<1x128x128xi32, #tpu.memory_space<vmem>> -> memref<128x128xi32, #tpu.memory_space<vmem>>
    %dma_start3A_115 = arith.constant 0 : i32
    %dma_start3A_116 = tpu.memref_slice %arg7[%dma_start3A_109, %dma_start3A_115] : memref<8x128xi32, #tpu.memory_space<vmem>> -> memref<1x128xi32, #tpu.memory_space<vmem>>
    %dma_start3A_117 = tpu.memref_squeeze %dma_start3A_116 : memref<1x128xi32, #tpu.memory_space<vmem>> -> memref<128xi32, #tpu.memory_space<vmem>>
    %dma_start3A_118 = arith.constant 0 : i32
    %dma_start3A_119 = arith.constant 0 : i32
    %dma_start3A_120 = tpu.memref_slice %arg4[%dma_start3A_118, %dma_start3A_119] : memref<507904x128xi32, #tpu.memory_space<hbm>> -> memref<507904x128xi32, #tpu.memory_space<hbm>>
    tpu.enqueue_indirect_dma source(%dma_start3A_120 : memref<507904x128xi32, #tpu.memory_space<hbm>>) target(%dma_start3A_114 : memref<128x128xi32, #tpu.memory_space<vmem>>) offsets(%dma_start3A_117 : memref<128xi32, #tpu.memory_space<vmem>>) semaphore(%arg9 : memref<!tpu.dma_semaphore, #tpu.memory_space<semaphore_mem>>)
    %dma_start3A_121 = arith.constant 6 : i32
    %dma_start3A_122 = arith.constant 2 : i32
    %dma_start3A_123 = arith.constant 0 : i32
    %dma_start3A_124 = arith.constant 0 : i32
    %dma_start3A_125 = tpu.memref_slice %arg8[%dma_start3A_122, %dma_start3A_123, %dma_start3A_124] : memref<4x128x128xi32, #tpu.memory_space<vmem>> -> memref<1x128x128xi32, #tpu.memory_space<vmem>>
    %dma_start3A_126 = tpu.memref_squeeze %dma_start3A_125 : memref<1x128x128xi32, #tpu.memory_space<vmem>> -> memref<128x128xi32, #tpu.memory_space<vmem>>
    %dma_start3A_127 = arith.constant 0 : i32
    %dma_start3A_128 = tpu.memref_slice %arg7[%dma_start3A_121, %dma_start3A_127] : memref<8x128xi32, #tpu.memory_space<vmem>> -> memref<1x128xi32, #tpu.memory_space<vmem>>
    %dma_start3A_129 = tpu.memref_squeeze %dma_start3A_128 : memref<1x128xi32, #tpu.memory_space<vmem>> -> memref<128xi32, #tpu.memory_space<vmem>>
    %dma_start3A_130 = arith.constant 0 : i32
    %dma_start3A_131 = arith.constant 0 : i32
    %dma_start3A_132 = tpu.memref_slice %arg4[%dma_start3A_130, %dma_start3A_131] : memref<507904x128xi32, #tpu.memory_space<hbm>> -> memref<507904x128xi32, #tpu.memory_space<hbm>>
    tpu.enqueue_indirect_dma source(%dma_start3A_132 : memref<507904x128xi32, #tpu.memory_space<hbm>>) target(%dma_start3A_126 : memref<128x128xi32, #tpu.memory_space<vmem>>) offsets(%dma_start3A_129 : memref<128xi32, #tpu.memory_space<vmem>>) semaphore(%arg9 : memref<!tpu.dma_semaphore, #tpu.memory_space<semaphore_mem>>)
    %dma_start3A_133 = arith.constant 7 : i32
    %dma_start3A_134 = arith.constant 3 : i32
    %dma_start3A_135 = arith.constant 0 : i32
    %dma_start3A_136 = arith.constant 0 : i32
    %dma_start3A_137 = tpu.memref_slice %arg8[%dma_start3A_134, %dma_start3A_135, %dma_start3A_136] : memref<4x128x128xi32, #tpu.memory_space<vmem>> -> memref<1x128x128xi32, #tpu.memory_space<vmem>>
    %dma_start3A_138 = tpu.memref_squeeze %dma_start3A_137 : memref<1x128x128xi32, #tpu.memory_space<vmem>> -> memref<128x128xi32, #tpu.memory_space<vmem>>
    %dma_start3A_139 = arith.constant 0 : i32
    %dma_start3A_140 = tpu.memref_slice %arg7[%dma_start3A_133, %dma_start3A_139] : memref<8x128xi32, #tpu.memory_space<vmem>> -> memref<1x128xi32, #tpu.memory_space<vmem>>
    %dma_start3A_141 = tpu.memref_squeeze %dma_start3A_140 : memref<1x128xi32, #tpu.memory_space<vmem>> -> memref<128xi32, #tpu.memory_space<vmem>>
    %dma_start3A_142 = arith.constant 0 : i32
    %dma_start3A_143 = arith.constant 0 : i32
    %dma_start3A_144 = tpu.memref_slice %arg4[%dma_start3A_142, %dma_start3A_143] : memref<507904x128xi32, #tpu.memory_space<hbm>> -> memref<507904x128xi32, #tpu.memory_space<hbm>>
    tpu.enqueue_indirect_dma source(%dma_start3A_144 : memref<507904x128xi32, #tpu.memory_space<hbm>>) target(%dma_start3A_138 : memref<128x128xi32, #tpu.memory_space<vmem>>) offsets(%dma_start3A_141 : memref<128xi32, #tpu.memory_space<vmem>>) semaphore(%arg9 : memref<!tpu.dma_semaphore, #tpu.memory_space<semaphore_mem>>)
    %dma_wait3A_145 = arith.constant 4 : i32
    %dma_wait3A_146 = arith.constant 0 : i32
    %dma_wait3A_147 = arith.constant 0 : i32
    %dma_wait3A_148 = arith.constant 0 : i32
    %dma_wait3A_149 = tpu.memref_slice %arg8[%dma_wait3A_146, %dma_wait3A_147, %dma_wait3A_148] : memref<4x128x128xi32, #tpu.memory_space<vmem>> -> memref<1x128x128xi32, #tpu.memory_space<vmem>>
    %dma_wait3A_150 = tpu.memref_squeeze %dma_wait3A_149 : memref<1x128x128xi32, #tpu.memory_space<vmem>> -> memref<128x128xi32, #tpu.memory_space<vmem>>
    %dma_wait3A_151 = arith.constant 0 : i32
    %dma_wait3A_152 = tpu.memref_slice %arg7[%dma_wait3A_145, %dma_wait3A_151] : memref<8x128xi32, #tpu.memory_space<vmem>> -> memref<1x128xi32, #tpu.memory_space<vmem>>
    %dma_wait3A_153 = tpu.memref_squeeze %dma_wait3A_152 : memref<1x128xi32, #tpu.memory_space<vmem>> -> memref<128xi32, #tpu.memory_space<vmem>>
    %dma_wait3A_154 = arith.constant 0 : i32
    %dma_wait3A_155 = arith.constant 0 : i32
    %dma_wait3A_156 = tpu.memref_slice %arg4[%dma_wait3A_154, %dma_wait3A_155] : memref<507904x128xi32, #tpu.memory_space<hbm>> -> memref<507904x128xi32, #tpu.memory_space<hbm>>
    tpu.wait_indirect_dma semaphore(%arg9 : memref<!tpu.dma_semaphore, #tpu.memory_space<semaphore_mem>>) src(%dma_wait3A_156 : memref<507904x128xi32, #tpu.memory_space<hbm>>) dst(%dma_wait3A_150 : memref<128x128xi32, #tpu.memory_space<vmem>>)
    %dma_wait3A_157 = arith.constant 5 : i32
    %dma_wait3A_158 = arith.constant 1 : i32
    %dma_wait3A_159 = arith.constant 0 : i32
    %dma_wait3A_160 = arith.constant 0 : i32
    %dma_wait3A_161 = tpu.memref_slice %arg8[%dma_wait3A_158, %dma_wait3A_159, %dma_wait3A_160] : memref<4x128x128xi32, #tpu.memory_space<vmem>> -> memref<1x128x128xi32, #tpu.memory_space<vmem>>
    %dma_wait3A_162 = tpu.memref_squeeze %dma_wait3A_161 : memref<1x128x128xi32, #tpu.memory_space<vmem>> -> memref<128x128xi32, #tpu.memory_space<vmem>>
    %dma_wait3A_163 = arith.constant 0 : i32
    %dma_wait3A_164 = tpu.memref_slice %arg7[%dma_wait3A_157, %dma_wait3A_163] : memref<8x128xi32, #tpu.memory_space<vmem>> -> memref<1x128xi32, #tpu.memory_space<vmem>>
    %dma_wait3A_165 = tpu.memref_squeeze %dma_wait3A_164 : memref<1x128xi32, #tpu.memory_space<vmem>> -> memref<128xi32, #tpu.memory_space<vmem>>
    %dma_wait3A_166 = arith.constant 0 : i32
    %dma_wait3A_167 = arith.constant 0 : i32
    %dma_wait3A_168 = tpu.memref_slice %arg4[%dma_wait3A_166, %dma_wait3A_167] : memref<507904x128xi32, #tpu.memory_space<hbm>> -> memref<507904x128xi32, #tpu.memory_space<hbm>>
    tpu.wait_indirect_dma semaphore(%arg9 : memref<!tpu.dma_semaphore, #tpu.memory_space<semaphore_mem>>) src(%dma_wait3A_168 : memref<507904x128xi32, #tpu.memory_space<hbm>>) dst(%dma_wait3A_162 : memref<128x128xi32, #tpu.memory_space<vmem>>)
    %dma_wait3A_169 = arith.constant 6 : i32
    %dma_wait3A_170 = arith.constant 2 : i32
    %dma_wait3A_171 = arith.constant 0 : i32
    %dma_wait3A_172 = arith.constant 0 : i32
    %dma_wait3A_173 = tpu.memref_slice %arg8[%dma_wait3A_170, %dma_wait3A_171, %dma_wait3A_172] : memref<4x128x128xi32, #tpu.memory_space<vmem>> -> memref<1x128x128xi32, #tpu.memory_space<vmem>>
    %dma_wait3A_174 = tpu.memref_squeeze %dma_wait3A_173 : memref<1x128x128xi32, #tpu.memory_space<vmem>> -> memref<128x128xi32, #tpu.memory_space<vmem>>
    %dma_wait3A_175 = arith.constant 0 : i32
    %dma_wait3A_176 = tpu.memref_slice %arg7[%dma_wait3A_169, %dma_wait3A_175] : memref<8x128xi32, #tpu.memory_space<vmem>> -> memref<1x128xi32, #tpu.memory_space<vmem>>
    %dma_wait3A_177 = tpu.memref_squeeze %dma_wait3A_176 : memref<1x128xi32, #tpu.memory_space<vmem>> -> memref<128xi32, #tpu.memory_space<vmem>>
    %dma_wait3A_178 = arith.constant 0 : i32
    %dma_wait3A_179 = arith.constant 0 : i32
    %dma_wait3A_180 = tpu.memref_slice %arg4[%dma_wait3A_178, %dma_wait3A_179] : memref<507904x128xi32, #tpu.memory_space<hbm>> -> memref<507904x128xi32, #tpu.memory_space<hbm>>
    tpu.wait_indirect_dma semaphore(%arg9 : memref<!tpu.dma_semaphore, #tpu.memory_space<semaphore_mem>>) src(%dma_wait3A_180 : memref<507904x128xi32, #tpu.memory_space<hbm>>) dst(%dma_wait3A_174 : memref<128x128xi32, #tpu.memory_space<vmem>>)
    %dma_wait3A_181 = arith.constant 7 : i32
    %dma_wait3A_182 = arith.constant 3 : i32
    %dma_wait3A_183 = arith.constant 0 : i32
    %dma_wait3A_184 = arith.constant 0 : i32
    %dma_wait3A_185 = tpu.memref_slice %arg8[%dma_wait3A_182, %dma_wait3A_183, %dma_wait3A_184] : memref<4x128x128xi32, #tpu.memory_space<vmem>> -> memref<1x128x128xi32, #tpu.memory_space<vmem>>
    %dma_wait3A_186 = tpu.memref_squeeze %dma_wait3A_185 : memref<1x128x128xi32, #tpu.memory_space<vmem>> -> memref<128x128xi32, #tpu.memory_space<vmem>>
    %dma_wait3A_187 = arith.constant 0 : i32
    %dma_wait3A_188 = tpu.memref_slice %arg7[%dma_wait3A_181, %dma_wait3A_187] : memref<8x128xi32, #tpu.memory_space<vmem>> -> memref<1x128xi32, #tpu.memory_space<vmem>>
    %dma_wait3A_189 = tpu.memref_squeeze %dma_wait3A_188 : memref<1x128xi32, #tpu.memory_space<vmem>> -> memref<128xi32, #tpu.memory_space<vmem>>
    %dma_wait3A_190 = arith.constant 0 : i32
    %dma_wait3A_191 = arith.constant 0 : i32
    %dma_wait3A_192 = tpu.memref_slice %arg4[%dma_wait3A_190, %dma_wait3A_191] : memref<507904x128xi32, #tpu.memory_space<hbm>> -> memref<507904x128xi32, #tpu.memory_space<hbm>>
    tpu.wait_indirect_dma semaphore(%arg9 : memref<!tpu.dma_semaphore, #tpu.memory_space<semaphore_mem>>) src(%dma_wait3A_192 : memref<507904x128xi32, #tpu.memory_space<hbm>>) dst(%dma_wait3A_186 : memref<128x128xi32, #tpu.memory_space<vmem>>)
    "tpu.region"() ({
      %run_scoped3A = tpu.sem_alloc : memref<!tpu.dma_semaphore, #tpu.memory_space<semaphore_mem>>
      %dma_start3A_193 = arith.constant 0 : i32
      %dma_start3A_194 = arith.constant 0 : i32
      %dma_start3A_195 = tpu.memref_slice %arg6[%mul3A_2, %dma_start3A_193, %dma_start3A_194] : memref<128x128x128xi32, #tpu.memory_space<hbm>> -> memref<4x128x128xi32, #tpu.memory_space<hbm>>
      %dma_start3A_196 = arith.constant 0 : i32
      %dma_start3A_197 = arith.constant 0 : i32
      %dma_start3A_198 = tpu.memref_slice %arg6[%mul3A_2, %dma_start3A_196, %dma_start3A_197] : memref<128x128x128xi32, #tpu.memory_space<hbm>> -> memref<4x128x128xi32, #tpu.memory_space<hbm>>
      tpu.enqueue_dma source(%arg8 : memref<4x128x128xi32, #tpu.memory_space<vmem>>) target(%dma_start3A_198 : memref<4x128x128xi32, #tpu.memory_space<hbm>>) target_semaphore(%run_scoped3A : memref<!tpu.dma_semaphore, #tpu.memory_space<semaphore_mem>>)
      %dma_wait3A_199 = arith.constant 0 : i32
      %dma_wait3A_200 = arith.constant 0 : i32
      %dma_wait3A_201 = tpu.memref_slice %arg6[%mul3A_2, %dma_wait3A_199, %dma_wait3A_200] : memref<128x128x128xi32, #tpu.memory_space<hbm>> -> memref<4x128x128xi32, #tpu.memory_space<hbm>>
      %dma_wait3A_202 = arith.constant 0 : i32
      %dma_wait3A_203 = arith.constant 0 : i32
      %dma_wait3A_204 = tpu.memref_slice %arg6[%mul3A_2, %dma_wait3A_202, %dma_wait3A_203] : memref<128x128x128xi32, #tpu.memory_space<hbm>> -> memref<4x128x128xi32, #tpu.memory_space<hbm>>
      tpu.wait_dma2 semaphore(%run_scoped3A : memref<!tpu.dma_semaphore, #tpu.memory_space<semaphore_mem>>) src(%arg8 : memref<4x128x128xi32, #tpu.memory_space<vmem>>) dst(%dma_wait3A_204 : memref<4x128x128xi32, #tpu.memory_space<hbm>>)
      tpu.yield
    }) : () -> ()
    return
  }
}

module attributes {stable_mosaic.version = 14 : i64} {
  func.func @_transform_block(%arg0: i32, %arg1: memref<64x32768xf32, #tpu.memory_space<vmem>>, %arg2: memref<64x32768xf32, #tpu.memory_space<vmem>>, %arg3: memref<16384x128xi32, #tpu.memory_space<vmem>>) attributes {dimension_semantics = [#tpu.dimension_semantics<arbitrary>], iteration_bounds = array<i64: 31>, scalar_prefetch = 0 : i64, scratch_operands = 0 : i64, tpu.core_type = #tpu.core_type<tc>, window_params = [{transform_indices = @transform_0, window_bounds = array<i64: 64, 32768>}, {transform_indices = @transform_1, window_bounds = array<i64: 64, 32768>}, {transform_indices = @transform_2, window_bounds = array<i64: 16384, 128>}]} {
    %iota3A = tpu.iota {dimensions = array<i32: 0>} : vector<64x64xi32>
    %iota3A_0 = tpu.iota {dimensions = array<i32: 1>} : vector<64x64xi32>
    %eq3A = arith.cmpi eq, %iota3A, %iota3A_0 : vector<64x64xi32>
    %convert_element_type3A = arith.extui %eq3A : vector<64x64xi1> to vector<64x64xi32>
    %convert_element_type3A_1 = arith.sitofp %convert_element_type3A : vector<64x64xi32> to vector<64x64xf32>
    %convert_element_type3A_2 = arith.truncf %convert_element_type3A_1 : vector<64x64xf32> to vector<64x64xbf16>
    %get3A = arith.constant 0 : index
    %get3A_3 = arith.constant 0 : index
    %get3A_4 = vector.load %arg1[%get3A, %get3A_3] : memref<64x32768xf32, #tpu.memory_space<vmem>>, vector<64x32768xf32>
    %convert_element_type3A_5 = arith.truncf %get3A_4 : vector<64x32768xf32> to vector<64x32768xbf16>
    %dot_general3A = arith.constant dense<0.000000e+00> : vector<32768x64xf32>
    %dot_general3A_6 = tpu.matmul %convert_element_type3A_5, %convert_element_type3A_2, %dot_general3A {dimension_numbers = #tpu.dot_dimension_numbers<[0], [0], [1], [1], [0, 1, 1, 1], [], []>, transpose_lhs_hint = false} : vector<64x32768xbf16>, vector<64x64xbf16>, vector<32768x64xf32> -> vector<32768x64xf32>
    %get3A_7 = arith.constant 0 : index
    %get3A_8 = arith.constant 0 : index
    %get3A_9 = vector.load %arg2[%get3A_7, %get3A_8] : memref<64x32768xf32, #tpu.memory_space<vmem>>, vector<64x32768xf32>
    %convert_element_type3A_10 = arith.truncf %get3A_9 : vector<64x32768xf32> to vector<64x32768xbf16>
    %dot_general3A_11 = arith.constant dense<0.000000e+00> : vector<32768x64xf32>
    %dot_general3A_12 = tpu.matmul %convert_element_type3A_10, %convert_element_type3A_2, %dot_general3A_11 {dimension_numbers = #tpu.dot_dimension_numbers<[0], [0], [1], [1], [0, 1, 1, 1], [], []>, transpose_lhs_hint = false} : vector<64x32768xbf16>, vector<64x64xbf16>, vector<32768x64xf32> -> vector<32768x64xf32>
    %bitcast_convert_type3A = tpu.bitcast %dot_general3A_6 : vector<32768x64xf32> -> vector<32768x64xi32>
    %bitcast_convert_type3A_13 = tpu.bitcast %dot_general3A_12 : vector<32768x64xf32> -> vector<32768x64xi32>
    %and3A = arith.constant -65536 : i32
    %and3A_14 = vector.broadcast %and3A : i32 to vector<32768x64xi32>
    %and3A_15 = arith.andi %bitcast_convert_type3A, %and3A_14 : vector<32768x64xi32>
    %shift_right_arithmetic3A = arith.constant 16 : i32
    %shift_right_arithmetic3A_16 = vector.broadcast %shift_right_arithmetic3A : i32 to vector<32768x64xi32>
    %shift_right_arithmetic3A_17 = arith.shrsi %bitcast_convert_type3A_13, %shift_right_arithmetic3A_16 : vector<32768x64xi32>
    %and3A_18 = arith.constant 65535 : i32
    %and3A_19 = vector.broadcast %and3A_18 : i32 to vector<32768x64xi32>
    %and3A_20 = arith.andi %shift_right_arithmetic3A_17, %and3A_19 : vector<32768x64xi32>
    %or3A = arith.ori %and3A_15, %and3A_20 : vector<32768x64xi32>
    %slice3A = vector.extract_strided_slice %or3A {offsets = [0, 0], sizes = [16384, 64], strides = [1, 1]} : vector<32768x64xi32> to vector<16384x64xi32>
    %swap3A = arith.constant 0 : index
    %swap3A_21 = arith.constant 0 : index
    %swap3A_22 = vector.load %arg3[%swap3A, %swap3A_21] : memref<16384x128xi32, #tpu.memory_space<vmem>>, vector<16384x64xi32>
    tpu.vector_store %arg3[%swap3A, %swap3A_21], %slice3A {strides = array<i32>} : memref<16384x128xi32, #tpu.memory_space<vmem>>, vector<16384x64xi32>,
    %slice3A_23 = vector.extract_strided_slice %or3A {offsets = [16384, 0], sizes = [16384, 64], strides = [1, 1]} : vector<32768x64xi32> to vector<16384x64xi32>
    %swap3A_24 = arith.constant 0 : index
    %swap3A_25 = arith.constant 64 : index
    %swap3A_26 = vector.load %arg3[%swap3A_24, %swap3A_25] : memref<16384x128xi32, #tpu.memory_space<vmem>>, vector<16384x64xi32>
    tpu.vector_store %arg3[%swap3A_24, %swap3A_25], %slice3A_23 {strides = array<i32>} : memref<16384x128xi32, #tpu.memory_space<vmem>>, vector<16384x64xi32>,
    return
  }
  func.func @transform_0(%arg0: i32) -> (i32, i32) {
    %c0_i32 = arith.constant 0 : i32
    %c0_i32_0 = arith.constant 0 : i32
    return %c0_i32, %arg0 : i32, i32
  }
  func.func @transform_1(%arg0: i32) -> (i32, i32) {
    %c0_i32 = arith.constant 0 : i32
    %c0_i32_0 = arith.constant 0 : i32
    return %c0_i32, %arg0 : i32, i32
  }
  func.func @transform_2(%arg0: i32) -> (i32, i32) {
    %c0_i32 = arith.constant 0 : i32
    %c0_i32_0 = arith.constant 0 : i32
    return %arg0, %c0_i32 : i32, i32
  }
}

module attributes {stable_mosaic.version = 14 : i64} {
  func.func @_mlp_block(%arg0: i32, %arg1: memref<4096x128xi32, #tpu.memory_space<vmem>>, %arg2: memref<4096x128xi32, #tpu.memory_space<vmem>>, %arg3: memref<4096x1xi32, #tpu.memory_space<vmem>>, %arg4: memref<4096x1xi32, #tpu.memory_space<vmem>>, %arg5: memref<64x128xbf16, #tpu.memory_space<vmem>>, %arg6: memref<64x128xbf16, #tpu.memory_space<vmem>>, %arg7: memref<1x128xf32, #tpu.memory_space<vmem>>, %arg8: memref<128x64xbf16, #tpu.memory_space<vmem>>, %arg9: memref<1x64xf32, #tpu.memory_space<vmem>>, %arg10: memref<64x32xbf16, #tpu.memory_space<vmem>>, %arg11: memref<1x32xf32, #tpu.memory_space<vmem>>, %arg12: memref<1x32xf32, #tpu.memory_space<vmem>>, %arg13: memref<1x1xf32, #tpu.memory_space<vmem>>, %arg14: memref<4096xf32, #tpu.memory_space<vmem>>) attributes {dimension_semantics = [#tpu.dimension_semantics<arbitrary>], iteration_bounds = array<i64: 4>, scalar_prefetch = 0 : i64, scratch_operands = 0 : i64, tpu.core_type = #tpu.core_type<tc>, window_params = [{transform_indices = @transform_0, window_bounds = array<i64: 4096, 128>}, {transform_indices = @transform_1, window_bounds = array<i64: 4096, 128>}, {transform_indices = @transform_2, window_bounds = array<i64: 4096, 1>}, {transform_indices = @transform_3, window_bounds = array<i64: 4096, 1>}, {pipeline_mode = #tpu.pipeline_mode<synchronous>, transform_indices = @transform_4, window_bounds = array<i64: 64, 128>}, {pipeline_mode = #tpu.pipeline_mode<synchronous>, transform_indices = @transform_5, window_bounds = array<i64: 64, 128>}, {pipeline_mode = #tpu.pipeline_mode<synchronous>, transform_indices = @transform_6, window_bounds = array<i64: 1, 128>}, {pipeline_mode = #tpu.pipeline_mode<synchronous>, transform_indices = @transform_7, window_bounds = array<i64: 128, 64>}, {pipeline_mode = #tpu.pipeline_mode<synchronous>, transform_indices = @transform_8, window_bounds = array<i64: 1, 64>}, {pipeline_mode = #tpu.pipeline_mode<synchronous>, transform_indices = @transform_9, window_bounds = array<i64: 64, 32>}, {pipeline_mode = #tpu.pipeline_mode<synchronous>, transform_indices = @transform_10, window_bounds = array<i64: 1, 32>}, {pipeline_mode = #tpu.pipeline_mode<synchronous>, transform_indices = @transform_11, window_bounds = array<i64: 1, 32>}, {pipeline_mode = #tpu.pipeline_mode<synchronous>, transform_indices = @transform_12, window_bounds = array<i64: 1, 1>}, {transform_indices = @transform_13, window_bounds = array<i64: 4096>}]} {
    %get3A = arith.constant 0 : index
    %get3A_0 = arith.constant 0 : index
    %get3A_1 = vector.load %arg3[%get3A, %get3A_0] : memref<4096x1xi32, #tpu.memory_space<vmem>>, vector<4096x1xi32>
    %eq3A = arith.constant 1 : i32
    %eq3A_2 = vector.broadcast %eq3A : i32 to vector<4096x1xi32>
    %eq3A_3 = arith.cmpi eq, %get3A_1, %eq3A_2 : vector<4096x1xi32>
    %get3A_4 = arith.constant 0 : index
    %get3A_5 = arith.constant 64 : index
    %get3A_6 = vector.load %arg1[%get3A_4, %get3A_5] : memref<4096x128xi32, #tpu.memory_space<vmem>>, vector<4096x64xi32>
    %get3A_7 = arith.constant 0 : index
    %get3A_8 = arith.constant 0 : index
    %get3A_9 = vector.load %arg1[%get3A_7, %get3A_8] : memref<4096x128xi32, #tpu.memory_space<vmem>>, vector<4096x64xi32>
    %broadcast_in_dim3A = vector.shape_cast %eq3A_3 : vector<4096x1xi1> to vector<4096x1xi1>
    %broadcast_in_dim3A_10 = vector.broadcast %broadcast_in_dim3A : vector<4096x1xi1> to vector<4096x64xi1>
    %select_n3A = arith.select %broadcast_in_dim3A_10, %get3A_6, %get3A_9 : vector<4096x64xi1>, vector<4096x64xi32>
    %get3A_11 = arith.constant 0 : index
    %get3A_12 = arith.constant 0 : index
    %get3A_13 = vector.load %arg4[%get3A_11, %get3A_12] : memref<4096x1xi32, #tpu.memory_space<vmem>>, vector<4096x1xi32>
    %eq3A_14 = arith.constant 1 : i32
    %eq3A_15 = vector.broadcast %eq3A_14 : i32 to vector<4096x1xi32>
    %eq3A_16 = arith.cmpi eq, %get3A_13, %eq3A_15 : vector<4096x1xi32>
    %get3A_17 = arith.constant 0 : index
    %get3A_18 = arith.constant 64 : index
    %get3A_19 = vector.load %arg2[%get3A_17, %get3A_18] : memref<4096x128xi32, #tpu.memory_space<vmem>>, vector<4096x64xi32>
    %get3A_20 = arith.constant 0 : index
    %get3A_21 = arith.constant 0 : index
    %get3A_22 = vector.load %arg2[%get3A_20, %get3A_21] : memref<4096x128xi32, #tpu.memory_space<vmem>>, vector<4096x64xi32>
    %broadcast_in_dim3A_23 = vector.shape_cast %eq3A_16 : vector<4096x1xi1> to vector<4096x1xi1>
    %broadcast_in_dim3A_24 = vector.broadcast %broadcast_in_dim3A_23 : vector<4096x1xi1> to vector<4096x64xi1>
    %select_n3A_25 = arith.select %broadcast_in_dim3A_24, %get3A_19, %get3A_22 : vector<4096x64xi1>, vector<4096x64xi32>
    %and3A = arith.constant -65536 : i32
    %and3A_26 = vector.broadcast %and3A : i32 to vector<4096x64xi32>
    %and3A_27 = arith.andi %select_n3A, %and3A_26 : vector<4096x64xi32>
    %bitcast_convert_type3A = tpu.bitcast %and3A_27 : vector<4096x64xi32> -> vector<4096x64xf32>
    %convert_element_type3A = arith.truncf %bitcast_convert_type3A : vector<4096x64xf32> to vector<4096x64xbf16>
    %shift_left3A = arith.constant 16 : i32
    %shift_left3A_28 = vector.broadcast %shift_left3A : i32 to vector<4096x64xi32>
    %shift_left3A_29 = arith.shli %select_n3A_25, %shift_left3A_28 : vector<4096x64xi32>
    %bitcast_convert_type3A_30 = tpu.bitcast %shift_left3A_29 : vector<4096x64xi32> -> vector<4096x64xf32>
    %convert_element_type3A_31 = arith.truncf %bitcast_convert_type3A_30 : vector<4096x64xf32> to vector<4096x64xbf16>
    %get3A_32 = arith.constant 0 : index
    %get3A_33 = arith.constant 0 : index
    %get3A_34 = vector.load %arg5[%get3A_32, %get3A_33] : memref<64x128xbf16, #tpu.memory_space<vmem>>, vector<64x128xbf16>
    %dot_general3A = arith.constant dense<0.000000e+00> : vector<4096x128xf32>
    %dot_general3A_35 = tpu.matmul %convert_element_type3A, %get3A_34, %dot_general3A {dimension_numbers = #tpu.dot_dimension_numbers<[1], [0], [0], [1], [0, 0, 1, 1], [], []>, transpose_lhs_hint = false} : vector<4096x64xbf16>, vector<64x128xbf16>, vector<4096x128xf32> -> vector<4096x128xf32>
    %get3A_36 = arith.constant 0 : index
    %get3A_37 = arith.constant 0 : index
    %get3A_38 = vector.load %arg6[%get3A_36, %get3A_37] : memref<64x128xbf16, #tpu.memory_space<vmem>>, vector<64x128xbf16>
    %dot_general3A_39 = arith.constant dense<0.000000e+00> : vector<4096x128xf32>
    %dot_general3A_40 = tpu.matmul %convert_element_type3A_31, %get3A_38, %dot_general3A_39 {dimension_numbers = #tpu.dot_dimension_numbers<[1], [0], [0], [1], [0, 0, 1, 1], [], []>, transpose_lhs_hint = false} : vector<4096x64xbf16>, vector<64x128xbf16>, vector<4096x128xf32> -> vector<4096x128xf32>
    %add3A = arith.addf %dot_general3A_35, %dot_general3A_40 : vector<4096x128xf32>
    %get3A_41 = arith.constant 0 : index
    %get3A_42 = arith.constant 0 : index
    %get3A_43 = vector.load %arg7[%get3A_41, %get3A_42] : memref<1x128xf32, #tpu.memory_space<vmem>>, vector<1x128xf32>
    %add3A_44 = vector.broadcast %get3A_43 : vector<1x128xf32> to vector<4096x128xf32>
    %add3A_45 = arith.addf %add3A, %add3A_44 : vector<4096x128xf32>
    %max3A = arith.constant 0.000000e+00 : f32
    %max3A_46 = vector.broadcast %max3A : f32 to vector<4096x128xf32>
    %max3A_47 = arith.maximumf %add3A_45, %max3A_46 : vector<4096x128xf32>
    %convert_element_type3A_48 = arith.truncf %max3A_47 : vector<4096x128xf32> to vector<4096x128xbf16>
    %get3A_49 = arith.constant 0 : index
    %get3A_50 = arith.constant 0 : index
    %get3A_51 = vector.load %arg8[%get3A_49, %get3A_50] : memref<128x64xbf16, #tpu.memory_space<vmem>>, vector<128x64xbf16>
    %dot_general3A_52 = arith.constant dense<0.000000e+00> : vector<4096x64xf32>
    %dot_general3A_53 = tpu.matmul %convert_element_type3A_48, %get3A_51, %dot_general3A_52 {dimension_numbers = #tpu.dot_dimension_numbers<[1], [0], [0], [1], [0, 0, 1, 1], [], []>, transpose_lhs_hint = false} : vector<4096x128xbf16>, vector<128x64xbf16>, vector<4096x64xf32> -> vector<4096x64xf32>
    %get3A_54 = arith.constant 0 : index
    %get3A_55 = arith.constant 0 : index
    %get3A_56 = vector.load %arg9[%get3A_54, %get3A_55] : memref<1x64xf32, #tpu.memory_space<vmem>>, vector<1x64xf32>
    %add3A_57 = vector.broadcast %get3A_56 : vector<1x64xf32> to vector<4096x64xf32>
    %add3A_58 = arith.addf %dot_general3A_53, %add3A_57 : vector<4096x64xf32>
    %max3A_59 = arith.constant 0.000000e+00 : f32
    %max3A_60 = vector.broadcast %max3A_59 : f32 to vector<4096x64xf32>
    %max3A_61 = arith.maximumf %add3A_58, %max3A_60 : vector<4096x64xf32>
    %convert_element_type3A_62 = arith.truncf %max3A_61 : vector<4096x64xf32> to vector<4096x64xbf16>
    %get3A_63 = arith.constant 0 : index
    %get3A_64 = arith.constant 0 : index
    %get3A_65 = vector.load %arg10[%get3A_63, %get3A_64] : memref<64x32xbf16, #tpu.memory_space<vmem>>, vector<64x32xbf16>
    %dot_general3A_66 = arith.constant dense<0.000000e+00> : vector<4096x32xf32>
    %dot_general3A_67 = tpu.matmul %convert_element_type3A_62, %get3A_65, %dot_general3A_66 {dimension_numbers = #tpu.dot_dimension_numbers<[1], [0], [0], [1], [0, 0, 1, 1], [], []>, transpose_lhs_hint = false} : vector<4096x64xbf16>, vector<64x32xbf16>, vector<4096x32xf32> -> vector<4096x32xf32>
    %get3A_68 = arith.constant 0 : index
    %get3A_69 = arith.constant 0 : index
    %get3A_70 = vector.load %arg11[%get3A_68, %get3A_69] : memref<1x32xf32, #tpu.memory_space<vmem>>, vector<1x32xf32>
    %add3A_71 = vector.broadcast %get3A_70 : vector<1x32xf32> to vector<4096x32xf32>
    %add3A_72 = arith.addf %dot_general3A_67, %add3A_71 : vector<4096x32xf32>
    %max3A_73 = arith.constant 0.000000e+00 : f32
    %max3A_74 = vector.broadcast %max3A_73 : f32 to vector<4096x32xf32>
    %max3A_75 = arith.maximumf %add3A_72, %max3A_74 : vector<4096x32xf32>
    %get3A_76 = arith.constant 0 : index
    %get3A_77 = arith.constant 0 : index
    %get3A_78 = vector.load %arg12[%get3A_76, %get3A_77] : memref<1x32xf32, #tpu.memory_space<vmem>>, vector<1x32xf32>
    %mul3A = vector.broadcast %get3A_78 : vector<1x32xf32> to vector<4096x32xf32>
    %mul3A_79 = arith.mulf %max3A_75, %mul3A : vector<4096x32xf32>
    %reduce_sum3A = arith.constant dense<0.000000e+00> : vector<4096xf32>
    %reduce_sum3A_80 = vector.multi_reduction <add>, %mul3A_79, %reduce_sum3A [1] : vector<4096x32xf32> to vector<4096xf32>
    %get3A_81 = arith.constant 0 : index
    %get3A_82 = arith.constant 0 : index
    %get3A_83 = vector.load %arg13[%get3A_81, %get3A_82] : memref<1x1xf32, #tpu.memory_space<vmem>>, vector<1x1xf32>
    %get3A_84 = vector.extract %get3A_83[0, 0] : f32 from vector<1x1xf32>
    %add3A_85 = vector.broadcast %get3A_84 : f32 to vector<4096xf32>
    %add3A_86 = arith.addf %reduce_sum3A_80, %add3A_85 : vector<4096xf32>
    %logistic3A = arith.negf %add3A_86 : vector<4096xf32>
    %logistic3A_87 = math.exp %logistic3A : vector<4096xf32>
    %logistic3A_88 = arith.constant 1.000000e+00 : f32
    %logistic3A_89 = vector.broadcast %logistic3A_88 : f32 to vector<4096xf32>
    %logistic3A_90 = arith.addf %logistic3A_89, %logistic3A_87 : vector<4096xf32>
    %logistic3A_91 = arith.divf %logistic3A_89, %logistic3A_90 : vector<4096xf32>
    %swap3A = arith.constant 0 : index
    %swap3A_92 = vector.load %arg14[%swap3A] : memref<4096xf32, #tpu.memory_space<vmem>>, vector<4096xf32>
    tpu.vector_store %arg14[%swap3A], %logistic3A_91 {strides = array<i32>} : memref<4096xf32, #tpu.memory_space<vmem>>, vector<4096xf32>,
    return
  }
  func.func @transform_0(%arg0: i32) -> (i32, i32) {
    %c0_i32 = arith.constant 0 : i32
    %c0_i32_0 = arith.constant 0 : i32
    return %arg0, %c0_i32 : i32, i32
  }
  func.func @transform_1(%arg0: i32) -> (i32, i32) {
    %c0_i32 = arith.constant 0 : i32
    %c0_i32_0 = arith.constant 0 : i32
    return %arg0, %c0_i32 : i32, i32
  }
  func.func @transform_2(%arg0: i32) -> (i32, i32) {
    %c0_i32 = arith.constant 0 : i32
    %c0_i32_0 = arith.constant 0 : i32
    return %arg0, %c0_i32 : i32, i32
  }
  func.func @transform_3(%arg0: i32) -> (i32, i32) {
    %c0_i32 = arith.constant 0 : i32
    %c0_i32_0 = arith.constant 0 : i32
    return %arg0, %c0_i32 : i32, i32
  }
  func.func @transform_4(%arg0: i32) -> (i32, i32) {
    %c0_i32 = arith.constant 0 : i32
    %c0_i32_0 = arith.constant 0 : i32
    %c0_i32_1 = arith.constant 0 : i32
    return %c0_i32, %c0_i32_0 : i32, i32
  }
  func.func @transform_5(%arg0: i32) -> (i32, i32) {
    %c0_i32 = arith.constant 0 : i32
    %c0_i32_0 = arith.constant 0 : i32
    %c0_i32_1 = arith.constant 0 : i32
    return %c0_i32, %c0_i32_0 : i32, i32
  }
  func.func @transform_6(%arg0: i32) -> (i32, i32) {
    %c0_i32 = arith.constant 0 : i32
    %c0_i32_0 = arith.constant 0 : i32
    %c0_i32_1 = arith.constant 0 : i32
    return %c0_i32, %c0_i32_0 : i32, i32
  }
  func.func @transform_7(%arg0: i32) -> (i32, i32) {
    %c0_i32 = arith.constant 0 : i32
    %c0_i32_0 = arith.constant 0 : i32
    %c0_i32_1 = arith.constant 0 : i32
    return %c0_i32, %c0_i32_0 : i32, i32
  }
  func.func @transform_8(%arg0: i32) -> (i32, i32) {
    %c0_i32 = arith.constant 0 : i32
    %c0_i32_0 = arith.constant 0 : i32
    %c0_i32_1 = arith.constant 0 : i32
    return %c0_i32, %c0_i32_0 : i32, i32
  }
  func.func @transform_9(%arg0: i32) -> (i32, i32) {
    %c0_i32 = arith.constant 0 : i32
    %c0_i32_0 = arith.constant 0 : i32
    %c0_i32_1 = arith.constant 0 : i32
    return %c0_i32, %c0_i32_0 : i32, i32
  }
  func.func @transform_10(%arg0: i32) -> (i32, i32) {
    %c0_i32 = arith.constant 0 : i32
    %c0_i32_0 = arith.constant 0 : i32
    %c0_i32_1 = arith.constant 0 : i32
    return %c0_i32, %c0_i32_0 : i32, i32
  }
  func.func @transform_11(%arg0: i32) -> (i32, i32) {
    %c0_i32 = arith.constant 0 : i32
    %c0_i32_0 = arith.constant 0 : i32
    %c0_i32_1 = arith.constant 0 : i32
    return %c0_i32, %c0_i32_0 : i32, i32
  }
  func.func @transform_12(%arg0: i32) -> (i32, i32) {
    %c0_i32 = arith.constant 0 : i32
    %c0_i32_0 = arith.constant 0 : i32
    %c0_i32_1 = arith.constant 0 : i32
    return %c0_i32, %c0_i32_0 : i32, i32
  }
  func.func @transform_13(%arg0: i32) -> i32 {
    %c0_i32 = arith.constant 0 : i32
    return %arg0 : i32
  }
}

</mosaic_0001>

<sc_bundles>
// kernel: kernel.5.cloned.1.call-start
scs
__scs_entry_jumppad:
0x0: {  	(pc) =	sbr.rel $0x88, $3  }
0x1: {  	(tag) =	ssettag $0x0;
	lr =	simm.s32 $0x1  }
0x2: {  	[smem:$0x3F95] =	sst lr;
	_ =	strace $0xD0000000  }
0x3: {  	_ = 	snop  }
0x4: {  	_ = 	snop  }
0x5: {  	_ = 	snop  }
0x6: {  	_ = 	snop  }
0x7: {  	_ = 	snop  }
__scs_overlays_trampoline_lowered:
0x8: {  	[smem:$0x3FA4] =	sst s0  }
0x9: {  	[smem:$0x3FA5] =	sst s1  }
0xa: {  	[smem:$0x3FA6] =	sst s2  }
0xb: {  	[smem:$0x3FA7] =	sst s3  }
0xc: {  	[smem:$0x3FA8] =	sst s4  }
0xd: {  	[smem:$0x3FA9] =	sst s5  }
0xe: {  	[smem:$0x3FAA] =	sst s6  }
0xf: {  	[smem:$0x3FAB] =	sst s7  }
0x10: {  	[smem:$0x3FAC] =	sst s8  }
0x11: {  	[smem:$0x3FAD] =	sst s9;
	s0 =	simm.s32 @!p0 $0x0  }
0x12: {  	s1 =	sld [smem:$0x3F93];
	s0 =	simm.s32 @p0 $0x1  }
0x13: {  	[smem:$0x3FAE] =	sst s0;
	s0 =	simm.s32 @!p1 $0x0  }
0x14: {  	s2 =	sld [smem:$0x3F92];
	s0 =	simm.s32 @p1 $0x1  }
0x15: {  	[smem:$0x3FAF] =	sst s0;
	s0 =	simm.s32 @!p2 $0x0  }
0x16: {  	s3 =	sld [smem:$0x3FDB];
	s0 =	simm.s32 @p2 $0x1  }
0x17: {  	s4 =	simm.s32 $0x1BF5;
	[smem:$0x3FB1] =	sst s0  }
0x18: {  	s0 =	sld [smem:$0x3F94];
	_ =	swait.ge [sflag:s4], $0x0  }
0x19: {  	s7 =	sld [smem:$0x3F95]  }
0x1a: {  	s8 =	sadd.s32 $0xFFFFE003, lr  }
0x1b: {  	s9 =	sadd.s32 $0xFFFFFEF7, lr;
	s5 =	simm.s32 $0xFFFFFFFF;
	p2 =	slt.u32 s8, $0xFFFFF086  }
0x1c: {  	p1 =	slt.u32 s9, $0xF7A;
	s5 =	simm.s32 @!p2 $0x0  }
0x1d: {  	s5 =	simm.s32 @p1 $0x1;
	p0 =	seq.s32 s7, s2  }
0x1e: {  	s7 =	smul.u32 @!p0 $0xF7A, s2;
	p2 =	seq.s32 @!p0 s5, $0x0  }
0x1f: {  	s9 =	smul.u32 $0xF7A, s1;
	s8 =	simm.s32 @!p0 $0x1BF5;
	p2 =	por !p2, p0  }
0x20: {  	[sflag:s8] =	ssyncset.s32 @!p0 $0xFFFFF086;
	s6 =	sadd.s32 @!p0 s3, s7;
	s7 =	simm.s32 @!p0 $0x108  }
0x21: {  	s3 =	sadd.s32 s3, s9;
	s6 =	sadd.s32 @!p0 $0x88, s6;
	s7 =	simm.s32 @p2 $0x1082  }
0x22: {  	[simem:s7], [sflag:s8] =	dma.local @!p0 [hbm:s6], $0xF7A  }
0x23: {  	s9 =	sor.u32 $0xD0000000, s2;
	s6 =	simm.s32 $0x108;
	_ =	swait.ge @!p0 [sflag:s8], $0x0  }
0x24: {  	s3 =	sadd.s32 $0x88, s3;
	s6 =	simm.s32 @!p1 $0x1082;
	[sflag:s4] =	ssyncset.s32 $0xFFFFF086  }
0x25: {  	[simem:s6], [sflag:s4] =	dma.local [hbm:s3], $0xF7A  }
0x26: {  	[smem:$0x3F95] =	sst s1;
	(tag) =	ssettag s2;
	_ =	strace s9  }
0x27: {  	s1 =	sld [smem:$0x3FA5]  }
0x28: {  	s2 =	sld [smem:$0x3FA6]  }
0x29: {  	s4 =	sld [smem:$0x3FA8]  }
0x2a: {  	p0 =	seq.s32 s5, $0x0;
	s5 =	sld [smem:$0x3FA9]  }
0x2b: {  	s6 =	sld [smem:$0x3FAA]  }
0x2c: {  	s7 =	sld [smem:$0x3FAB]  }
0x2d: {  	s3 =	simm.s32 $0x108;
	s8 =	sld [smem:$0x3FAC]  }
0x2e: {  	s3 =	simm.s32 @!p0 $0x1082;
	s9 =	sld [smem:$0x3FAD]  }
0x2f: {  	lr =	sadd.s32 s0, s3;
	s0 =	sld [smem:$0x3FA4]  }
0x30: {  	s3 =	sld [smem:$0x3FA7]  }
0x31: {  	[smem:$0x3FB0] =	sst s10  }
0x32: {  	s10 =	sld [smem:$0x3FAE];
	_ =	sdelay $0x3  }
0x33: {  	p0 =	seq.s32 s10, $0x1;
	s10 =	sld [smem:$0x3FB0];
	_ =	sdelay $0x3  }
0x34: {  	[smem:$0x3FB0] =	sst s10  }
0x35: {  	s10 =	sld [smem:$0x3FAF];
	_ =	sdelay $0x3  }
0x36: {  	p1 =	seq.s32 s10, $0x1;
	s10 =	sld [smem:$0x3FB0];
	_ =	sdelay $0x3  }
0x37: {  	[smem:$0x3FB0] =	sst s10  }
0x38: {  	s10 =	sld [smem:$0x3FB1]  }
0x39: {  	_ = 	snop;
	(pc) =	sbr.ind lr, $3  }
0x3a: {  	_ = 	snop  }
0x3b: {  	_ = 	snop  }
0x3c: {  	p2 =	seq.s32 s10, $0x1;
	s10 =	sld [smem:$0x3FB0]  }
0x3d: {  	_ =	shalt  }
0x3e: {  	_ =	shalt  }
0x3f: {  	_ =	shalt  }
0x40: {  	_ =	shalt  }
0x41: {  	_ =	shalt  }
0x42: {  	_ =	shalt  }
0x43: {  	_ =	shalt  }
0x44: {  	_ =	shalt  }
0x45: {  	_ =	shalt  }
0x46: {  	_ =	shalt  }
0x47: {  	_ =	shalt  }
0x48: {  	_ =	shalt  }
0x49: {  	_ =	shalt  }
0x4a: {  	_ =	shalt  }
0x4b: {  	_ =	shalt  }
0x4c: {  	_ =	shalt  }
0x4d: {  	_ =	shalt  }
0x4e: {  	_ =	shalt  }
0x4f: {  	_ =	shalt  }
0x50: {  	_ =	shalt  }
0x51: {  	_ =	shalt  }
0x52: {  	_ =	shalt  }
0x53: {  	_ =	shalt  }
0x54: {  	_ =	shalt  }
0x55: {  	_ =	shalt  }
0x56: {  	_ =	shalt  }
0x57: {  	_ =	shalt  }
0x58: {  	_ =	shalt  }
0x59: {  	_ =	shalt  }
0x5a: {  	_ =	shalt  }
0x5b: {  	_ =	shalt  }
0x5c: {  	_ =	shalt  }
0x5d: {  	_ =	shalt  }
0x5e: {  	_ =	shalt  }
0x5f: {  	_ =	shalt  }
0x60: {  	_ =	shalt  }
0x61: {  	_ =	shalt  }
0x62: {  	_ =	shalt  }
0x63: {  	_ =	shalt  }
0x64: {  	_ =	shalt  }
0x65: {  	_ =	shalt  }
0x66: {  	_ =	shalt  }
0x67: {  	_ =	shalt  }
0x68: {  	_ =	shalt  }
0x69: {  	_ =	shalt  }
0x6a: {  	_ =	shalt  }
0x6b: {  	_ =	shalt  }
0x6c: {  	_ =	shalt  }
0x6d: {  	_ =	shalt  }
0x6e: {  	_ =	shalt  }
0x6f: {  	_ =	shalt  }
0x70: {  	_ =	shalt  }
0x71: {  	_ =	shalt  }
0x72: {  	_ =	shalt  }
0x73: {  	_ =	shalt  }
0x74: {  	_ =	shalt  }
0x75: {  	_ =	shalt  }
0x76: {  	_ =	shalt  }
0x77: {  	_ =	shalt  }
0x78: {  	_ =	shalt  }
0x79: {  	_ =	shalt  }
0x7a: {  	_ =	shalt  }
0x7b: {  	_ =	shalt  }
0x7c: {  	_ =	shalt  }
0x7d: {  	_ =	shalt  }
0x7e: {  	_ =	shalt  }
0x7f: {  	_ =	shalt  }
0x80: {  	_ =	shalt  }
0x81: {  	_ =	shalt  }
0x82: {  	_ =	shalt  }
0x83: {  	_ =	shalt  }
0x84: {  	_ =	shalt  }
0x85: {  	_ =	shalt  }
0x86: {  	_ =	shalt  }
0x87: {  	_ =	shalt  }
.Lfunc_end0:
.L_simem_size_0:
called_computation_lowered:
.L_overlay_start_0:
0x88: {  	s2 =	sld [smem:$0x3FD9]  }
0x89: {  	s3 =	sld [smem:$0x3FFE];
	_ =	sdelay $0x1  }
0x8a: {  	s1 =	srdreg.scid  }
0x8b: {  	s0 =	sand.u32 $0x1, s1  }
0x8c: {  	s16 =	sshll.u32 s0, $0xA;
	s2 =	sadd.s32 s3, s2  }
0x8d: {  	s2 =	sadd.s32 s2, s16  }
0x8e: {  	[smem:$0x3FBC] =	sst s2  }
0x8f: {  	_ = 	snop  }
0x90: {  	(tm) =	ssettm $0x1  }
0x91: {  	s17 =	sld [smem:$0x3FFB];
	_ =	sdelay $0x3  }
0x92: {  	_ =	strace s17  }
0x93: {  	s2 =	sld [smem:$0x3FFC];
	_ =	sdelay $0x3  }
0x94: {  	_ =	strace s2  }
0x95: {  	s2 =	sld [smem:$0x3FFD];
	_ =	sdelay $0x3  }
0x96: {  	_ =	strace s2  }
0x97: {  	_ =	strace $0x8FFFFFFF  }
0x98: {  	s18 =	sld [smem:$0x3FDB];
	_ =	sdelay $0x1  }
0x99: {  	s19 =	simm.s32 $_scs_section_size  }
0x9a: {  	s4 =	simm.s32 $_size__tile_overlayer_lowered;
	s5 =	simm.s32 $_tile_overlayer_lowered  }
0x9b: {  	s22 =	simm.s32 $0x1BFF;
	s21 =	sshll.u32 s5, $0x1;
	s2 =	sadd.s32 s19, s18  }
0x9c: {  	s6 =	simm.s32 $0x0;
	s20 =	sshll.u32 s4, $0x1;
	s4 =	sadd.s32 s21, s2  }
0x9d: {  	[timem:s6], [sflag:s22] =	dma.local [hbm:s4], s20  }
0x9e: {  	_ =	swait.ge [sflag:s22], s20  }
0x9f: {  	s3 =	ssub.s32 $0x0, s20;
	[sflag:s22] =	ssyncset.done $0x0  }
0xa0: {  	[sflag:s22] =	ssyncadd.s32 s3;
	_ =	sdelay $0x1  }
0xa1: {  	s23 =	simm.s32 $0x1B8B  }
0xa2: {  	_ =	swait.ge [sflag:s23], $0x1  }
0xa3: {  	[sflag:s23] =	ssyncset.done $0x0  }
0xa4: {  	s25 =	simm.s32 $0x1B8E;
	s24 =	sld [smem:$0x3FFE];
	[sflag:s23] =	ssyncadd.s32 $0xFFFFFFFF  }
0xa5: {  	s26 =	simm.s32 $execute0_lowered;
	[smem:$0x3FD2] =	sst s25  }
0xa6: {  	s4 =	sshll.u32 s26, $0x1;
	_ =	strace $0x80000046;
	[dreg:$0x1] =	wrdreg $0xFFFFFFFF  }
0xa7: {  	s28 =	simm.s32 $_size_execute0_lowered;
	s2 =	sadd.s32 s2, s4;
	[dreg:$0x0] =	wrdreg $0x0  }
0xa8: {  	s4 =	sshll.u32 s28, $0x1;
	[dreg:$0x2] =	wrdreg s2  }
0xa9: {  	[dreg:$0x3] =	wrdreg s4  }
0xaa: {  	[dreg:$0x4] =	wrdreg $0xC0  }
0xab: {  	_ =	task [dreg:s6], $0x5FFFF  }
0xac: {  	[dreg:$0x1] =	wrdreg $0xFFFFFFFF  }
0xad: {  	[dreg:$0x0] =	wrdreg $0x60  }
0xae: {  	[dreg:$0x2] =	wrdreg s24  }
0xaf: {  	[dreg:$0x3] =	wrdreg $0x9  }
0xb0: {  	_ =	task.clear_ibuf [dreg:s6], $0x4FFFF;
	_ =	strace $0x90000046  }
0xb1: {  	s29 =	simm.s32 $0x9;
	_ =	strace $0x80000048  }
0xb2: {  	_ =	swait.ge [sflag:s29], $0x1  }
0xb3: {  	[sflag:s29] =	ssyncadd.s32 $0xFFFFFFFF  }
0xb4: {  	_ =	strace $0x90000048  }
0xb5: {  	_ =	sfence  }
0xb6: {  	s30 =	sld [smem:$0x0];
	_ =	sdelay $0x2  }
0xb7: {  	s31 =	sshll.u32 s1, $0xD;
	s1 =	sshrl.u32 s1, $0x2  }
0xb8: {  	s3 =	sand.u32 $0x4000, s31;
	s1 =	sadd.s32 s1, s30  }
0xb9: {  	s0 =	sor.u32 s3, s0;
	s1 =	sshll.u32 s1, $0x11  }
0xba: {  	s0 =	sor.u32 s1, s0  }
0xbb: {  	s0 =	sadd.s32 $0x8F2B, s0  }
0xbc: {  	[sflag:s0] =	ssyncadd.remote.s32 $0x1  }
0xbd: {  	_ =	sfence.sel $0xFFFF  }
0xbe: {  	[dreg:$0x0] =	wrdreg $0xFFFFFFFF;
	(pc) =	sbr.abs _section_cstart, $3  }
0xbf: {  	[dreg:$0x1] =	wrdreg $0xFFFFFFFF  }
0xc0: {  	_ =	task.clear_ibuf [dreg:s6], $0x2FFFF;
	_ =	strace $0x9FFFFFFF  }
0xc1: {  	(tm) =	ssettm $0x7FFFFFFF  }
tec
execute0_lowered:
.L_overlay_start_1:
0x0: {  	(tag) =	ssettag $0x1  }
0x1: {  	s1 =	srdreg.scid  }
0x2: {  	s0 =	stileid.u32;
	s20 =	sand.u32 $0x1, s1  }
0x3: {  	s16 =	rddreg [dreg:$0x0];
	s3 =	sshll.u32 s0, $0x7;
	s4 =	sshll.u32 s20, $0x6  }
0x4: {  	s2 =	simm.s32 $0x0;
	s1 =	rddreg [dreg:$0x1];
	s3 =	sor.u32 s4, s3  }
0x5: {  	[smem:$0x7FF] =	sst s2;
	s5 =	sadd.s32 s3, s16  }
0x6: {  	_ =	strace $0x80000047;
	s3 =	simm.s32 $0x2;
	s4 =	sadd.s32 $0x3200, s5  }
0x7: {  	[tilespmem:s2], [sflag:$0x2] =	stream.linear.gather [hbm4b:s4+s2], $0x200, $0x38;
	[tilespmem:$0x10400] =	vst v63  }
0x8: {  	_ =	swait.ge [sflag:s3], $0x200  }
0x9: {  	[sflag:s3] =	ssyncset.done $0x0  }
0xa: {  	s6 =	simm.s32 $0x200;
	s5 =	sadd.s32 $0x2A00, s5;
	[sflag:s3] =	ssyncadd.s32 $0xFFFFFE00  }
0xb: {  	[tilespmem:s6], [sflag:$0x2] =	stream.linear.gather [hbm4b:s5+s2], $0x200, $0x38;
	[tilespmem:$0x10400] =	vst v63  }
0xc: {  	_ =	swait.ge [sflag:s3], $0x200  }
0xd: {  	s8 =	simm.s32 $0x80;
	[sflag:s3] =	ssyncset.done $0x0  }
0xe: {  	s9 =	simm.s32 $0x400;
	s7 =	sadd.s32 $0x3A00, s16;
	[sflag:s3] =	ssyncadd.s32 $0xFFFFFE00  }
0xf: {  	[tilespmem:s9], [sflag:$0x1] =	stream.indirect.gather [hbm4b:s7+s8], $0x80, s2, s8, $0xb8;
	[tilespmem:$0x10400] =	vst v63  }
0x10: {  	s10 =	simm.s32 $0x4400  }
0x11: {  	[tilespmem:s10], [sflag:$0x1] =	stream.indirect.gather [hbm4b:s7+s8], $0x80, s8, s8, $0xb8;
	[tilespmem:$0x10400] =	vst v63  }
0x12: {  	s11 =	simm.s32 $0x100;
	s12 =	simm.s32 $0x8400  }
0x13: {  	[tilespmem:s12], [sflag:$0x1] =	stream.indirect.gather [hbm4b:s7+s8], $0x80, s11, s8, $0xb8;
	[tilespmem:$0x10400] =	vst v63  }
0x14: {  	s13 =	simm.s32 $0x180;
	s14 =	simm.s32 $0xC400;
	s15 =	simm.s32 $0x1  }
0x15: {  	[tilespmem:s14], [sflag:$0x1] =	stream.indirect.gather [hbm4b:s7+s8], $0x80, s13, s8, $0xb8;
	[tilespmem:$0x10400] =	vst v63  }
0x16: {  	_ =	swait.ge [sflag:s15], $0x4000  }
0x17: {  	[sflag:s15] =	ssyncset.done $0x0  }
0x18: {  	[sflag:s15] =	ssyncadd.s32 $0xFFFFC000  }
0x19: {  	_ =	swait.ge [sflag:s15], $0x4000  }
0x1a: {  	[sflag:s15] =	ssyncset.done $0x0  }
0x1b: {  	[sflag:s15] =	ssyncadd.s32 $0xFFFFC000  }
0x1c: {  	_ =	swait.ge [sflag:s15], $0x4000  }
0x1d: {  	[sflag:s15] =	ssyncset.done $0x0  }
0x1e: {  	s17 =	sshll.u32 s0, $0xE;
	s18 =	sshll.u32 s20, $0xD;
	[sflag:s15] =	ssyncadd.s32 $0xFFFFC000  }
0x1f: {  	s17 =	sor.u32 s18, s17;
	_ =	swait.ge [sflag:s15], $0x4000  }
0x20: {  	s21 =	sadd.s32 s17, s16;
	[sflag:s15] =	ssyncset.done $0x0  }
0x21: {  	s16 =	sadd.s32 $0x7C3A00, s21;
	[sflag:s15] =	ssyncadd.s32 $0xFFFFC000  }
0x22: {  	[hbm4b:s16+s2] =	stream.linear.scatter [tilespmem:s9], [sflag:$0x2], $0x10000, $0x38;
	[tilespmem:$0x10400] =	vst v63  }
0x23: {  	_ =	swait.ge [sflag:s3], $0x10000  }
0x24: {  	[sflag:s3] =	ssyncset.done $0x0  }
0x25: {  	[sflag:s3] =	ssyncadd.s32 $0xFFFF0000  }
0x26: {  	[tilespmem:s9], [sflag:$0x1] =	stream.indirect.gather [hbm4b:s7+s8], $0x80, s6, s8, $0xb8;
	[tilespmem:$0x10400] =	vst v63  }
0x27: {  	s17 =	simm.s32 $0x280  }
0x28: {  	[tilespmem:s10], [sflag:$0x1] =	stream.indirect.gather [hbm4b:s7+s8], $0x80, s17, s8, $0xb8;
	[tilespmem:$0x10400] =	vst v63  }
0x29: {  	s18 =	simm.s32 $0x300  }
0x2a: {  	[tilespmem:s12], [sflag:$0x1] =	stream.indirect.gather [hbm4b:s7+s8], $0x80, s18, s8, $0xb8;
	[tilespmem:$0x10400] =	vst v63  }
0x2b: {  	s19 =	simm.s32 $0x380  }
0x2c: {  	[tilespmem:s14], [sflag:$0x1] =	stream.indirect.gather [hbm4b:s7+s8], $0x80, s19, s8, $0xb8;
	[tilespmem:$0x10400] =	vst v63  }
0x2d: {  	_ =	swait.ge [sflag:s15], $0x4000  }
0x2e: {  	[sflag:s15] =	ssyncset.done $0x0  }
0x2f: {  	[sflag:s15] =	ssyncadd.s32 $0xFFFFC000  }
0x30: {  	_ =	swait.ge [sflag:s15], $0x4000  }
0x31: {  	[sflag:s15] =	ssyncset.done $0x0  }
0x32: {  	s20 =	ssub.s32 $0x2, s20;
	[sflag:s15] =	ssyncadd.s32 $0xFFFFC000  }
0x33: {  	s22 =	sshrl.u32 s20, $0x1;
	_ =	swait.ge [sflag:s15], $0x4000  }
0x34: {  	s22 =	ssub.s32 s20, s22;
	[sflag:s15] =	ssyncset.done $0x0  }
0x35: {  	s31 =	smax.u32 s22, $0x1;
	[sflag:s15] =	ssyncadd.s32 $0xFFFFC000  }
0x36: {  	p0 =	sne.s32 s31, $0x1;
	_ =	swait.ge [sflag:s15], $0x4000  }
.Ltmp0:
0x37: {  	[sflag:s15] =	ssyncset.done $0x0;
	(pc) =	sbr.rel @!p0 .LBB2_2-.Ltmp0, $4  }
0x38: {  	s20 =	sadd.s32 $0x803A00, s21;
	[sflag:s15] =	ssyncadd.s32 $0xFFFFC000  }
0x39: {  	[hbm4b:s20+s2] =	stream.linear.scatter [tilespmem:s9], [sflag:$0x2], $0x10000, $0x38;
	[tilespmem:$0x10400] =	vst v63  }
0x3a: {  	_ =	swait.ge [sflag:s3], $0x10000  }
0x3b: {  	s21 =	sadd.s32 $0xFFFFFFFF, s31;
	[sflag:s3] =	ssyncset.done $0x0  }
.LBB2_1:
0x3c: {  	p0 =	sne.s32 s21, $0x1;
	s21 =	sadd.s32 $0xFFFFFFFF, s21;
	[sflag:s3] =	ssyncadd.s32 $0xFFFF0000  }
0x3d: {  	[tilespmem:s2], [sflag:$0x2] =	stream.linear.gather [hbm4b:s4+s2], $0x200, $0x38;
	[tilespmem:$0x10400] =	vst v63  }
0x3e: {  	_ =	swait.ge [sflag:s3], $0x200  }
0x3f: {  	[sflag:s3] =	ssyncset.done $0x0  }
0x40: {  	[sflag:s3] =	ssyncadd.s32 $0xFFFFFE00  }
0x41: {  	[tilespmem:s6], [sflag:$0x2] =	stream.linear.gather [hbm4b:s5+s2], $0x200, $0x38;
	[tilespmem:$0x10400] =	vst v63  }
0x42: {  	_ =	swait.ge [sflag:s3], $0x200  }
0x43: {  	[sflag:s3] =	ssyncset.done $0x0  }
0x44: {  	[sflag:s3] =	ssyncadd.s32 $0xFFFFFE00  }
0x45: {  	[tilespmem:s9], [sflag:$0x1] =	stream.indirect.gather [hbm4b:s7+s8], $0x80, s2, s8, $0xb8;
	[tilespmem:$0x10400] =	vst v63  }
0x46: {  	_ = 	snop  }
0x47: {  	[tilespmem:s10], [sflag:$0x1] =	stream.indirect.gather [hbm4b:s7+s8], $0x80, s8, s8, $0xb8;
	[tilespmem:$0x10400] =	vst v63  }
0x48: {  	_ = 	snop  }
0x49: {  	[tilespmem:s12], [sflag:$0x1] =	stream.indirect.gather [hbm4b:s7+s8], $0x80, s11, s8, $0xb8;
	[tilespmem:$0x10400] =	vst v63  }
0x4a: {  	_ = 	snop  }
0x4b: {  	[tilespmem:s14], [sflag:$0x1] =	stream.indirect.gather [hbm4b:s7+s8], $0x80, s13, s8, $0xb8;
	[tilespmem:$0x10400] =	vst v63  }
0x4c: {  	_ =	swait.ge [sflag:s15], $0x4000  }
0x4d: {  	[sflag:s15] =	ssyncset.done $0x0  }
0x4e: {  	[sflag:s15] =	ssyncadd.s32 $0xFFFFC000  }
0x4f: {  	_ =	swait.ge [sflag:s15], $0x4000  }
0x50: {  	[sflag:s15] =	ssyncset.done $0x0  }
0x51: {  	[sflag:s15] =	ssyncadd.s32 $0xFFFFC000  }
0x52: {  	_ =	swait.ge [sflag:s15], $0x4000  }
0x53: {  	[sflag:s15] =	ssyncset.done $0x0  }
0x54: {  	[sflag:s15] =	ssyncadd.s32 $0xFFFFC000  }
0x55: {  	_ =	swait.ge [sflag:s15], $0x4000  }
0x56: {  	[sflag:s15] =	ssyncset.done $0x0  }
0x57: {  	[sflag:s15] =	ssyncadd.s32 $0xFFFFC000  }
0x58: {  	[hbm4b:s16+s2] =	stream.linear.scatter [tilespmem:s9], [sflag:$0x2], $0x10000, $0x38;
	[tilespmem:$0x10400] =	vst v63  }
0x59: {  	_ =	swait.ge [sflag:s3], $0x10000  }
0x5a: {  	[sflag:s3] =	ssyncset.done $0x0  }
0x5b: {  	[sflag:s3] =	ssyncadd.s32 $0xFFFF0000  }
0x5c: {  	[tilespmem:s9], [sflag:$0x1] =	stream.indirect.gather [hbm4b:s7+s8], $0x80, s6, s8, $0xb8;
	[tilespmem:$0x10400] =	vst v63  }
0x5d: {  	_ = 	snop  }
0x5e: {  	[tilespmem:s10], [sflag:$0x1] =	stream.indirect.gather [hbm4b:s7+s8], $0x80, s17, s8, $0xb8;
	[tilespmem:$0x10400] =	vst v63  }
0x5f: {  	_ = 	snop  }
0x60: {  	[tilespmem:s12], [sflag:$0x1] =	stream.indirect.gather [hbm4b:s7+s8], $0x80, s18, s8, $0xb8;
	[tilespmem:$0x10400] =	vst v63  }
0x61: {  	_ = 	snop  }
0x62: {  	[tilespmem:s14], [sflag:$0x1] =	stream.indirect.gather [hbm4b:s7+s8], $0x80, s19, s8, $0xb8;
	[tilespmem:$0x10400] =	vst v63  }
0x63: {  	_ =	swait.ge [sflag:s15], $0x4000  }
0x64: {  	[sflag:s15] =	ssyncset.done $0x0  }
0x65: {  	[sflag:s15] =	ssyncadd.s32 $0xFFFFC000  }
0x66: {  	_ =	swait.ge [sflag:s15], $0x4000  }
0x67: {  	[sflag:s15] =	ssyncset.done $0x0  }
0x68: {  	[sflag:s15] =	ssyncadd.s32 $0xFFFFC000  }
0x69: {  	_ =	swait.ge [sflag:s15], $0x4000  }
0x6a: {  	[sflag:s15] =	ssyncset.done $0x0  }
0x6b: {  	[sflag:s15] =	ssyncadd.s32 $0xFFFFC000  }
0x6c: {  	_ =	swait.ge [sflag:s15], $0x4000  }
.Ltmp1:
0x6d: {  	[sflag:s15] =	ssyncset.done $0x0;
	(pc) =	sbr.rel @p0 .LBB2_1-.Ltmp1, $4  }
0x6e: {  	[sflag:s15] =	ssyncadd.s32 $0xFFFFC000  }
0x6f: {  	[hbm4b:s20+s2] =	stream.linear.scatter [tilespmem:s9], [sflag:$0x2], $0x10000, $0x38;
	[tilespmem:$0x10400] =	vst v63  }
0x70: {  	_ =	swait.ge [sflag:s3], $0x10000  }
0x71: {  	[sflag:s3] =	ssyncset.done $0x0  }
.LBB2_2:
0x72: {  	[sflag:s3] =	ssyncadd.s32 $0xFFFF0000  }
0x73: {  	_ =	sfence.sel $0x180000  }
0x74: {  	[bflag:$0x0] =	sbarrier.arrive $0xFFFF  }
0x75: {  	p0 =	sne.s32 s0, $0x0;
	_ =	strace $0x90000047  }
0x76: {  	s0 =	sadd.s32 @!p0 $0x100000, s1;
	[bflag:$0x2] =	sbarrier.arrive $0xFFFF  }
0x77: {  	[sflag:s0] =	ssyncadd.tile.s32 @!p0 $0x1;
	_ =	shalt  }
.Lfunc_end2:
_tile_overlayer_lowered:
.L_overlay_start_2:
0x78: {  	(tag) =	ssettag $0x2  }
0x79: {  	s0 =	rddreg [dreg:$0x0];
	s2 =	stileid.u32  }
0x7a: {  	s1 =	rddreg [dreg:$0x1];
	p0 =	sne.s32 s2, $0x0  }
0x7b: {  	s3 =	rddreg [dreg:$0x2];
	[bflag:$0x3] =	sbarrier.arrive $0xFFFF;
	s2 =	simm.s32 @!p0 $0x1C02  }
0x7c: {  	[timem:s3], [sflag:s2] =	dma.local @!p0 [hbm:s0], s1  }
0x7d: {  	s0 =	simm.s32 @!p0 $0x2  }
0x7e: {  	_ =	swait.ge @!p0 [sflag:s0], s1  }
0x7f: {  	s1 =	ssub.s32 @!p0 $0x0, s1;
	[sflag:s0] =	ssyncset.done @!p0 $0x0  }
0x80: {  	[sflag:s0] =	ssyncadd.s32 @!p0 s1  }
0x81: {  	[bflag:$0x3] =	sbarrier.arrive $0xFFFF  }
0x82: {  	_ =	shalt  }

</sc_bundles>
